<compile_context>
chip_gen: v7x
topology: tpu7x:2x2x1
jax: 0.10.2.dev20260603
libtpu: 0.0.44.dev20260713+nightly
codegen_flags: <defaults>
</compile_context>

<pallas_src>
import functools

import jax
import jax.numpy as jnp
from jax import lax
from jax.experimental import pallas as pl
from jax.experimental.pallas import tpu as pltpu
from jax.experimental.pallas import tpu_sc as plsc

MODEL_DIM = 1024
NC = 2
NS = 16
NW = NC * NS
CHUNK = 16
NBUF = 7
DEPTH = 3


@functools.partial(jax.jit, static_argnames=("nchunk",))
def _sc_gather(positions, table, *, nchunk):
    b_per_w = nchunk * CHUNK
    b_total = NW * b_per_w
    brows, bcols = positions.shape
    w_per_row = bcols // b_per_w
    mesh = plsc.VectorSubcoreMesh(
        core_axis_name="c", subcore_axis_name="s", num_cores=NC, num_subcores=NS
    )

    @functools.partial(
        pl.kernel,
        out_type=jax.ShapeDtypeStruct((b_total, MODEL_DIM), jnp.float32),
        mesh=mesh,
        scratch_types=[
            pltpu.VMEM((b_per_w,), jnp.int32),
            [pltpu.VMEM((CHUNK, MODEL_DIM), jnp.float32)] * NBUF,
            [pltpu.SemaphoreType.DMA] * NBUF,
            [pltpu.SemaphoreType.DMA] * NBUF,
        ],
    )
    def k(pos_hbm, table_hbm, out_hbm, idx_v, bufs, gsems, wsems):
        wid = lax.axis_index("s") * NC + lax.axis_index("c")
        base = wid * b_per_w
        prow = wid // w_per_row
        pcol = (wid % w_per_row) * b_per_w
        pltpu.sync_copy(pos_hbm.at[prow, pl.ds(pcol, b_per_w)], idx_v)
        gathers = [None] * NBUF
        pending_w = [None] * NBUF

        def issue_gather(p):
            pb = p % NBUF
            if pending_w[pb] is not None:
                pending_w[pb].wait()
                pending_w[pb] = None
            gathers[pb] = pltpu.async_copy(
                table_hbm.at[idx_v.at[pl.ds(p * CHUNK, CHUNK)]], bufs[pb], gsems[pb]
            )

        for p in range(min(DEPTH, nchunk)):
            issue_gather(p)
        for g in range(nchunk):
            b = g % NBUF
            p = g + DEPTH
            if p < nchunk:
                issue_gather(p)
            gathers[b].wait()
            pending_w[b] = pltpu.async_copy(
                bufs[b], out_hbm.at[pl.ds(base + g * CHUNK, CHUNK)], wsems[b]
            )
        for b in range(NBUF):
            if pending_w[b] is not None:
                pending_w[b].wait()

    return k(positions, table)


def kernel(positions, table):
    b, s = positions.shape
    n = b * s
    nchunk = n // (NW * CHUNK)
    out = _sc_gather(positions.astype(jnp.int32), table, nchunk=nchunk)
    return out.reshape(b, s, MODEL_DIM)

# --- scband reference (transcript-rebuilt; emitter-appended) ---
"""Pipeline reference for scband-positional-embedding-60052232732961 (READ-ONLY COPY).

The authoritative reference and input builder live on the scoring server;
editing this copy changes nothing except your own understanding.
"""

import jax, jax.numpy as jnp
import numpy as np

MODEL_DIM = 1024
MAX_POS = 8192
TEMPERATURE = 10000.0

def _build_table():
    positions = jnp.arange(MAX_POS, dtype=jnp.float32)[:, None]
    div_term = jnp.exp(jnp.arange(0, MODEL_DIM, 2, dtype=jnp.float32) * -(jnp.log(jnp.float32(TEMPERATURE)) / MODEL_DIM))
    pos = positions * div_term
    sin = jnp.sin(pos)
    cos = jnp.cos(pos)
    table = jnp.zeros((MAX_POS, MODEL_DIM), dtype=jnp.float32)
    table = table.at[:, 0::2].set(sin)
    table = table.at[:, 1::2].set(cos)
    return table

def setup_inputs(seed: int = 0) -> dict:
    key = jax.random.key(seed)
    positions = jax.random.randint(key, (4, 4096), 0, MAX_POS, dtype=jnp.int64 if jax.config.jax_enable_x64 else jnp.int32)
    table = _build_table()
    return {"positions": positions, "table": table}

def reference(positions, table):
    # Faithful translation: pos_emb = self.positional_embeddings[positions]
    pos_emb = jnp.take(table, positions, axis=0)
    return pos_emb

if __name__ == "__main__":
    import jax
    _d = setup_inputs()
    print(jax.jit(kernel)(*tuple(_d.values())))

</pallas_src>

<mosaic_0001>
#map = affine_map<(d0, d1) -> (0, 0)>
module attributes {stable_mosaic.version = 14 : i64} {
  func.func @k(%arg0: i32, %arg1: i32, %arg2: memref<4x4096xi32, #tpu.memory_space<hbm>>, %arg3: memref<8192x1024xf32, #tpu.memory_space<hbm>>, %arg4: memref<16384x1024xf32, #tpu.memory_space<hbm>>, %arg5: memref<512xi32, #tpu.memory_space<vmem>>, %arg6: memref<16x1024xf32, #tpu.memory_space<vmem>>, %arg7: memref<16x1024xf32, #tpu.memory_space<vmem>>, %arg8: memref<16x1024xf32, #tpu.memory_space<vmem>>, %arg9: memref<16x1024xf32, #tpu.memory_space<vmem>>, %arg10: memref<16x1024xf32, #tpu.memory_space<vmem>>, %arg11: memref<16x1024xf32, #tpu.memory_space<vmem>>, %arg12: memref<16x1024xf32, #tpu.memory_space<vmem>>, %arg13: memref<!tpu.dma_semaphore, #tpu.memory_space<semaphore_mem>>, %arg14: memref<!tpu.dma_semaphore, #tpu.memory_space<semaphore_mem>>, %arg15: memref<!tpu.dma_semaphore, #tpu.memory_space<semaphore_mem>>, %arg16: memref<!tpu.dma_semaphore, #tpu.memory_space<semaphore_mem>>, %arg17: memref<!tpu.dma_semaphore, #tpu.memory_space<semaphore_mem>>, %arg18: memref<!tpu.dma_semaphore, #tpu.memory_space<semaphore_mem>>, %arg19: memref<!tpu.dma_semaphore, #tpu.memory_space<semaphore_mem>>, %arg20: memref<!tpu.dma_semaphore, #tpu.memory_space<semaphore_mem>>, %arg21: memref<!tpu.dma_semaphore, #tpu.memory_space<semaphore_mem>>, %arg22: memref<!tpu.dma_semaphore, #tpu.memory_space<semaphore_mem>>, %arg23: memref<!tpu.dma_semaphore, #tpu.memory_space<semaphore_mem>>, %arg24: memref<!tpu.dma_semaphore, #tpu.memory_space<semaphore_mem>>, %arg25: memref<!tpu.dma_semaphore, #tpu.memory_space<semaphore_mem>>, %arg26: memref<!tpu.dma_semaphore, #tpu.memory_space<semaphore_mem>>) attributes {dimension_semantics = [#tpu.dimension_semantics<core_parallel>, #tpu.dimension_semantics<subcore_parallel>], iteration_bounds = array<i64: 2, 16>, scalar_prefetch = 0 : i64, scratch_operands = 22 : i64, tpu.core_type = #tpu.core_type<sc_vector_subcore>, window_params = [{transform_indices = #map}, {transform_indices = #map}, {transform_indices = #map}]} {
    %mul3A = arith.constant 2 : i32
    %mul3A_0 = arith.muli %arg1, %mul3A : i32
    %add3A = arith.addi %mul3A_0, %arg0 : i32
    %mul3A_1 = arith.constant 512 : i32
    %mul3A_2 = arith.muli %add3A, %mul3A_1 : i32
    %jit3A = arith.constant 8 : i32
    %div3A = arith.divsi %add3A, %jit3A : i32
    %sign3A = arith.constant 0 : i32
    %sign3A_3 = arith.cmpi sgt, %add3A, %sign3A : i32
    %sign3A_4 = arith.extui %sign3A_3 : i1 to i32
    %sign3A_5 = arith.constant 0 : i32
    %sign3A_6 = arith.cmpi slt, %add3A, %sign3A_5 : i32
    %sign3A_7 = arith.extui %sign3A_6 : i1 to i32
    %sign3A_8 = arith.subi %sign3A_4, %sign3A_7 : i32
    %sign3A_9 = arith.constant 0 : i32
    %sign3A_10 = arith.cmpi sgt, %jit3A, %sign3A_9 : i32
    %sign3A_11 = arith.extui %sign3A_10 : i1 to i32
    %sign3A_12 = arith.constant 0 : i32
    %sign3A_13 = arith.cmpi slt, %jit3A, %sign3A_12 : i32
    %sign3A_14 = arith.extui %sign3A_13 : i1 to i32
    %sign3A_15 = arith.subi %sign3A_11, %sign3A_14 : i32
    %ne3A = arith.cmpi ne, %sign3A_8, %sign3A_15 : i32
    %rem3A = arith.remsi %add3A, %jit3A : i32
    %ne3A_16 = arith.constant 0 : i32
    %ne3A_17 = arith.cmpi ne, %rem3A, %ne3A_16 : i32
    %and3A = arith.andi %ne3A, %ne3A_17 : i1
    %sub3A = arith.constant 1 : i32
    %sub3A_18 = arith.subi %div3A, %sub3A : i32
    %select_n3A = arith.select %and3A, %sub3A_18, %div3A : i32
    %jit3A_19 = arith.constant 8 : i32
    %eq3A = arith.constant 0 : i32
    %eq3A_20 = arith.cmpi eq, %jit3A_19, %eq3A : i32
    %jit3A_21 = arith.constant 1 : i32
    %select_n3A_22 = arith.select %eq3A_20, %jit3A_21, %jit3A_19 : i32
    %rem3A_23 = arith.remsi %add3A, %select_n3A_22 : i32
    %ne3A_24 = arith.constant 0 : i32
    %ne3A_25 = arith.cmpi ne, %rem3A_23, %ne3A_24 : i32
    %lt3A = arith.constant 0 : i32
    %lt3A_26 = arith.cmpi slt, %rem3A_23, %lt3A : i32
    %lt3A_27 = arith.constant 0 : i32
    %lt3A_28 = arith.cmpi slt, %select_n3A_22, %lt3A_27 : i32
    %ne3A_29 = arith.xori %lt3A_26, %lt3A_28 : i1
    %and3A_30 = arith.andi %ne3A_29, %ne3A_25 : i1
    %add3A_31 = arith.addi %rem3A_23, %select_n3A_22 : i32
    %select_n3A_32 = arith.select %and3A_30, %add3A_31, %rem3A_23 : i32
    %mul3A_33 = arith.constant 512 : i32
    %mul3A_34 = arith.muli %select_n3A_32, %mul3A_33 : i32
    "tpu.region"() ({
      %run_scoped3A = tpu.sem_alloc : memref<!tpu.dma_semaphore, #tpu.memory_space<semaphore_mem>>
      %dma_start3A_673 = tpu.memref_slice %arg2[%select_n3A, %mul3A_34] : memref<4x4096xi32, #tpu.memory_space<hbm>> -> memref<1x512xi32, #tpu.memory_space<hbm>>
      %dma_start3A_674 = tpu.memref_squeeze %dma_start3A_673 : memref<1x512xi32, #tpu.memory_space<hbm>> -> memref<512xi32, #tpu.memory_space<hbm>>
      %dma_start3A_675 = tpu.memref_slice %arg2[%select_n3A, %mul3A_34] : memref<4x4096xi32, #tpu.memory_space<hbm>> -> memref<1x512xi32, #tpu.memory_space<hbm>>
      %dma_start3A_676 = tpu.memref_squeeze %dma_start3A_675 : memref<1x512xi32, #tpu.memory_space<hbm>> -> memref<512xi32, #tpu.memory_space<hbm>>
      tpu.enqueue_dma source(%dma_start3A_676 : memref<512xi32, #tpu.memory_space<hbm>>) target(%arg5 : memref<512xi32, #tpu.memory_space<vmem>>) target_semaphore(%run_scoped3A : memref<!tpu.dma_semaphore, #tpu.memory_space<semaphore_mem>>)
      %dma_wait3A_677 = tpu.memref_slice %arg2[%select_n3A, %mul3A_34] : memref<4x4096xi32, #tpu.memory_space<hbm>> -> memref<1x512xi32, #tpu.memory_space<hbm>>
      %dma_wait3A_678 = tpu.memref_squeeze %dma_wait3A_677 : memref<1x512xi32, #tpu.memory_space<hbm>> -> memref<512xi32, #tpu.memory_space<hbm>>
      %dma_wait3A_679 = tpu.memref_slice %arg2[%select_n3A, %mul3A_34] : memref<4x4096xi32, #tpu.memory_space<hbm>> -> memref<1x512xi32, #tpu.memory_space<hbm>>
      %dma_wait3A_680 = tpu.memref_squeeze %dma_wait3A_679 : memref<1x512xi32, #tpu.memory_space<hbm>> -> memref<512xi32, #tpu.memory_space<hbm>>
      tpu.wait_dma2 semaphore(%run_scoped3A : memref<!tpu.dma_semaphore, #tpu.memory_space<semaphore_mem>>) src(%dma_wait3A_680 : memref<512xi32, #tpu.memory_space<hbm>>) dst(%arg5 : memref<512xi32, #tpu.memory_space<vmem>>)
      tpu.yield
    }) : () -> ()
    %dma_start3A = arith.constant 0 : i32
    %dma_start3A_35 = tpu.memref_slice %arg5[%dma_start3A] : memref<512xi32, #tpu.memory_space<vmem>> -> memref<16xi32, #tpu.memory_space<vmem>>
    %dma_start3A_36 = arith.constant 0 : i32
    %dma_start3A_37 = arith.constant 0 : i32
    %dma_start3A_38 = tpu.memref_slice %arg3[%dma_start3A_36, %dma_start3A_37] : memref<8192x1024xf32, #tpu.memory_space<hbm>> -> memref<8192x1024xf32, #tpu.memory_space<hbm>>
    tpu.enqueue_indirect_dma source(%dma_start3A_38 : memref<8192x1024xf32, #tpu.memory_space<hbm>>) target(%arg6 : memref<16x1024xf32, #tpu.memory_space<vmem>>) offsets(%dma_start3A_35 : memref<16xi32, #tpu.memory_space<vmem>>) semaphore(%arg13 : memref<!tpu.dma_semaphore, #tpu.memory_space<semaphore_mem>>)
    %dma_start3A_39 = arith.constant 16 : i32
    %dma_start3A_40 = tpu.memref_slice %arg5[%dma_start3A_39] : memref<512xi32, #tpu.memory_space<vmem>> -> memref<16xi32, #tpu.memory_space<vmem>>
    %dma_start3A_41 = arith.constant 0 : i32
    %dma_start3A_42 = arith.constant 0 : i32
    %dma_start3A_43 = tpu.memref_slice %arg3[%dma_start3A_41, %dma_start3A_42] : memref<8192x1024xf32, #tpu.memory_space<hbm>> -> memref<8192x1024xf32, #tpu.memory_space<hbm>>
    tpu.enqueue_indirect_dma source(%dma_start3A_43 : memref<8192x1024xf32, #tpu.memory_space<hbm>>) target(%arg7 : memref<16x1024xf32, #tpu.memory_space<vmem>>) offsets(%dma_start3A_40 : memref<16xi32, #tpu.memory_space<vmem>>) semaphore(%arg14 : memref<!tpu.dma_semaphore, #tpu.memory_space<semaphore_mem>>)
    %dma_start3A_44 = arith.constant 32 : i32
    %dma_start3A_45 = tpu.memref_slice %arg5[%dma_start3A_44] : memref<512xi32, #tpu.memory_space<vmem>> -> memref<16xi32, #tpu.memory_space<vmem>>
    %dma_start3A_46 = arith.constant 0 : i32
    %dma_start3A_47 = arith.constant 0 : i32
    %dma_start3A_48 = tpu.memref_slice %arg3[%dma_start3A_46, %dma_start3A_47] : memref<8192x1024xf32, #tpu.memory_space<hbm>> -> memref<8192x1024xf32, #tpu.memory_space<hbm>>
    tpu.enqueue_indirect_dma source(%dma_start3A_48 : memref<8192x1024xf32, #tpu.memory_space<hbm>>) target(%arg8 : memref<16x1024xf32, #tpu.memory_space<vmem>>) offsets(%dma_start3A_45 : memref<16xi32, #tpu.memory_space<vmem>>) semaphore(%arg15 : memref<!tpu.dma_semaphore, #tpu.memory_space<semaphore_mem>>)
    %dma_start3A_49 = arith.constant 48 : i32
    %dma_start3A_50 = tpu.memref_slice %arg5[%dma_start3A_49] : memref<512xi32, #tpu.memory_space<vmem>> -> memref<16xi32, #tpu.memory_space<vmem>>
    %dma_start3A_51 = arith.constant 0 : i32
    %dma_start3A_52 = arith.constant 0 : i32
    %dma_start3A_53 = tpu.memref_slice %arg3[%dma_start3A_51, %dma_start3A_52] : memref<8192x1024xf32, #tpu.memory_space<hbm>> -> memref<8192x1024xf32, #tpu.memory_space<hbm>>
    tpu.enqueue_indirect_dma source(%dma_start3A_53 : memref<8192x1024xf32, #tpu.memory_space<hbm>>) target(%arg9 : memref<16x1024xf32, #tpu.memory_space<vmem>>) offsets(%dma_start3A_50 : memref<16xi32, #tpu.memory_space<vmem>>) semaphore(%arg16 : memref<!tpu.dma_semaphore, #tpu.memory_space<semaphore_mem>>)
    %dma_wait3A = arith.constant 0 : i32
    %dma_wait3A_54 = tpu.memref_slice %arg5[%dma_wait3A] : memref<512xi32, #tpu.memory_space<vmem>> -> memref<16xi32, #tpu.memory_space<vmem>>
    %dma_wait3A_55 = arith.constant 0 : i32
    %dma_wait3A_56 = arith.constant 0 : i32
    %dma_wait3A_57 = tpu.memref_slice %arg3[%dma_wait3A_55, %dma_wait3A_56] : memref<8192x1024xf32, #tpu.memory_space<hbm>> -> memref<8192x1024xf32, #tpu.memory_space<hbm>>
    tpu.wait_indirect_dma semaphore(%arg13 : memref<!tpu.dma_semaphore, #tpu.memory_space<semaphore_mem>>) src(%dma_wait3A_57 : memref<8192x1024xf32, #tpu.memory_space<hbm>>) dst(%arg6 : memref<16x1024xf32, #tpu.memory_space<vmem>>)
    %add3A_58 = arith.constant 0 : i32
    %add3A_59 = arith.addi %mul3A_2, %add3A_58 : i32
    %dma_start3A_60 = arith.constant 0 : i32
    %dma_start3A_61 = tpu.memref_slice %arg4[%add3A_59, %dma_start3A_60] : memref<16384x1024xf32, #tpu.memory_space<hbm>> -> memref<16x1024xf32, #tpu.memory_space<hbm>>
    %dma_start3A_62 = arith.constant 0 : i32
    %dma_start3A_63 = tpu.memref_slice %arg4[%add3A_59, %dma_start3A_62] : memref<16384x1024xf32, #tpu.memory_space<hbm>> -> memref<16x1024xf32, #tpu.memory_space<hbm>>
    tpu.enqueue_dma source(%arg6 : memref<16x1024xf32, #tpu.memory_space<vmem>>) target(%dma_start3A_63 : memref<16x1024xf32, #tpu.memory_space<hbm>>) target_semaphore(%arg20 : memref<!tpu.dma_semaphore, #tpu.memory_space<semaphore_mem>>)
    %dma_start3A_64 = arith.constant 64 : i32
    %dma_start3A_65 = tpu.memref_slice %arg5[%dma_start3A_64] : memref<512xi32, #tpu.memory_space<vmem>> -> memref<16xi32, #tpu.memory_space<vmem>>
    %dma_start3A_66 = arith.constant 0 : i32
    %dma_start3A_67 = arith.constant 0 : i32
    %dma_start3A_68 = tpu.memref_slice %arg3[%dma_start3A_66, %dma_start3A_67] : memref<8192x1024xf32, #tpu.memory_space<hbm>> -> memref<8192x1024xf32, #tpu.memory_space<hbm>>
    tpu.enqueue_indirect_dma source(%dma_start3A_68 : memref<8192x1024xf32, #tpu.memory_space<hbm>>) target(%arg10 : memref<16x1024xf32, #tpu.memory_space<vmem>>) offsets(%dma_start3A_65 : memref<16xi32, #tpu.memory_space<vmem>>) semaphore(%arg17 : memref<!tpu.dma_semaphore, #tpu.memory_space<semaphore_mem>>)
    %dma_wait3A_69 = arith.constant 16 : i32
    %dma_wait3A_70 = tpu.memref_slice %arg5[%dma_wait3A_69] : memref<512xi32, #tpu.memory_space<vmem>> -> memref<16xi32, #tpu.memory_space<vmem>>
    %dma_wait3A_71 = arith.constant 0 : i32
    %dma_wait3A_72 = arith.constant 0 : i32
    %dma_wait3A_73 = tpu.memref_slice %arg3[%dma_wait3A_71, %dma_wait3A_72] : memref<8192x1024xf32, #tpu.memory_space<hbm>> -> memref<8192x1024xf32, #tpu.memory_space<hbm>>
    tpu.wait_indirect_dma semaphore(%arg14 : memref<!tpu.dma_semaphore, #tpu.memory_space<semaphore_mem>>) src(%dma_wait3A_73 : memref<8192x1024xf32, #tpu.memory_space<hbm>>) dst(%arg7 : memref<16x1024xf32, #tpu.memory_space<vmem>>)
    %add3A_74 = arith.constant 16 : i32
    %add3A_75 = arith.addi %mul3A_2, %add3A_74 : i32
    %dma_start3A_76 = arith.constant 0 : i32
    %dma_start3A_77 = tpu.memref_slice %arg4[%add3A_75, %dma_start3A_76] : memref<16384x1024xf32, #tpu.memory_space<hbm>> -> memref<16x1024xf32, #tpu.memory_space<hbm>>
    %dma_start3A_78 = arith.constant 0 : i32
    %dma_start3A_79 = tpu.memref_slice %arg4[%add3A_75, %dma_start3A_78] : memref<16384x1024xf32, #tpu.memory_space<hbm>> -> memref<16x1024xf32, #tpu.memory_space<hbm>>
    tpu.enqueue_dma source(%arg7 : memref<16x1024xf32, #tpu.memory_space<vmem>>) target(%dma_start3A_79 : memref<16x1024xf32, #tpu.memory_space<hbm>>) target_semaphore(%arg21 : memref<!tpu.dma_semaphore, #tpu.memory_space<semaphore_mem>>)
    %dma_start3A_80 = arith.constant 80 : i32
    %dma_start3A_81 = tpu.memref_slice %arg5[%dma_start3A_80] : memref<512xi32, #tpu.memory_space<vmem>> -> memref<16xi32, #tpu.memory_space<vmem>>
    %dma_start3A_82 = arith.constant 0 : i32
    %dma_start3A_83 = arith.constant 0 : i32
    %dma_start3A_84 = tpu.memref_slice %arg3[%dma_start3A_82, %dma_start3A_83] : memref<8192x1024xf32, #tpu.memory_space<hbm>> -> memref<8192x1024xf32, #tpu.memory_space<hbm>>
    tpu.enqueue_indirect_dma source(%dma_start3A_84 : memref<8192x1024xf32, #tpu.memory_space<hbm>>) target(%arg11 : memref<16x1024xf32, #tpu.memory_space<vmem>>) offsets(%dma_start3A_81 : memref<16xi32, #tpu.memory_space<vmem>>) semaphore(%arg18 : memref<!tpu.dma_semaphore, #tpu.memory_space<semaphore_mem>>)
    %dma_wait3A_85 = arith.constant 32 : i32
    %dma_wait3A_86 = tpu.memref_slice %arg5[%dma_wait3A_85] : memref<512xi32, #tpu.memory_space<vmem>> -> memref<16xi32, #tpu.memory_space<vmem>>
    %dma_wait3A_87 = arith.constant 0 : i32
    %dma_wait3A_88 = arith.constant 0 : i32
    %dma_wait3A_89 = tpu.memref_slice %arg3[%dma_wait3A_87, %dma_wait3A_88] : memref<8192x1024xf32, #tpu.memory_space<hbm>> -> memref<8192x1024xf32, #tpu.memory_space<hbm>>
    tpu.wait_indirect_dma semaphore(%arg15 : memref<!tpu.dma_semaphore, #tpu.memory_space<semaphore_mem>>) src(%dma_wait3A_89 : memref<8192x1024xf32, #tpu.memory_space<hbm>>) dst(%arg8 : memref<16x1024xf32, #tpu.memory_space<vmem>>)
    %add3A_90 = arith.constant 32 : i32
    %add3A_91 = arith.addi %mul3A_2, %add3A_90 : i32
    %dma_start3A_92 = arith.constant 0 : i32
    %dma_start3A_93 = tpu.memref_slice %arg4[%add3A_91, %dma_start3A_92] : memref<16384x1024xf32, #tpu.memory_space<hbm>> -> memref<16x1024xf32, #tpu.memory_space<hbm>>
    %dma_start3A_94 = arith.constant 0 : i32
    %dma_start3A_95 = tpu.memref_slice %arg4[%add3A_91, %dma_start3A_94] : memref<16384x1024xf32, #tpu.memory_space<hbm>> -> memref<16x1024xf32, #tpu.memory_space<hbm>>
    tpu.enqueue_dma source(%arg8 : memref<16x1024xf32, #tpu.memory_space<vmem>>) target(%dma_start3A_95 : memref<16x1024xf32, #tpu.memory_space<hbm>>) target_semaphore(%arg22 : memref<!tpu.dma_semaphore, #tpu.memory_space<semaphore_mem>>)
    %dma_start3A_96 = arith.constant 96 : i32
    %dma_start3A_97 = tpu.memref_slice %arg5[%dma_start3A_96] : memref<512xi32, #tpu.memory_space<vmem>> -> memref<16xi32, #tpu.memory_space<vmem>>
    %dma_start3A_98 = arith.constant 0 : i32
    %dma_start3A_99 = arith.constant 0 : i32
    %dma_start3A_100 = tpu.memref_slice %arg3[%dma_start3A_98, %dma_start3A_99] : memref<8192x1024xf32, #tpu.memory_space<hbm>> -> memref<8192x1024xf32, #tpu.memory_space<hbm>>
    tpu.enqueue_indirect_dma source(%dma_start3A_100 : memref<8192x1024xf32, #tpu.memory_space<hbm>>) target(%arg12 : memref<16x1024xf32, #tpu.memory_space<vmem>>) offsets(%dma_start3A_97 : memref<16xi32, #tpu.memory_space<vmem>>) semaphore(%arg19 : memref<!tpu.dma_semaphore, #tpu.memory_space<semaphore_mem>>)
    %dma_wait3A_101 = arith.constant 48 : i32
    %dma_wait3A_102 = tpu.memref_slice %arg5[%dma_wait3A_101] : memref<512xi32, #tpu.memory_space<vmem>> -> memref<16xi32, #tpu.memory_space<vmem>>
    %dma_wait3A_103 = arith.constant 0 : i32
    %dma_wait3A_104 = arith.constant 0 : i32
    %dma_wait3A_105 = tpu.memref_slice %arg3[%dma_wait3A_103, %dma_wait3A_104] : memref<8192x1024xf32, #tpu.memory_space<hbm>> -> memref<8192x1024xf32, #tpu.memory_space<hbm>>
    tpu.wait_indirect_dma semaphore(%arg16 : memref<!tpu.dma_semaphore, #tpu.memory_space<semaphore_mem>>) src(%dma_wait3A_105 : memref<8192x1024xf32, #tpu.memory_space<hbm>>) dst(%arg9 : memref<16x1024xf32, #tpu.memory_space<vmem>>)
    %add3A_106 = arith.constant 48 : i32
    %add3A_107 = arith.addi %mul3A_2, %add3A_106 : i32
    %dma_start3A_108 = arith.constant 0 : i32
    %dma_start3A_109 = tpu.memref_slice %arg4[%add3A_107, %dma_start3A_108] : memref<16384x1024xf32, #tpu.memory_space<hbm>> -> memref<16x1024xf32, #tpu.memory_space<hbm>>
    %dma_start3A_110 = arith.constant 0 : i32
    %dma_start3A_111 = tpu.memref_slice %arg4[%add3A_107, %dma_start3A_110] : memref<16384x1024xf32, #tpu.memory_space<hbm>> -> memref<16x1024xf32, #tpu.memory_space<hbm>>
    tpu.enqueue_dma source(%arg9 : memref<16x1024xf32, #tpu.memory_space<vmem>>) target(%dma_start3A_111 : memref<16x1024xf32, #tpu.memory_space<hbm>>) target_semaphore(%arg23 : memref<!tpu.dma_semaphore, #tpu.memory_space<semaphore_mem>>)
    %dma_wait3A_112 = arith.constant 0 : i32
    %dma_wait3A_113 = tpu.memref_slice %arg4[%add3A_59, %dma_wait3A_112] : memref<16384x1024xf32, #tpu.memory_space<hbm>> -> memref<16x1024xf32, #tpu.memory_space<hbm>>
    %dma_wait3A_114 = arith.constant 0 : i32
    %dma_wait3A_115 = tpu.memref_slice %arg4[%add3A_59, %dma_wait3A_114] : memref<16384x1024xf32, #tpu.memory_space<hbm>> -> memref<16x1024xf32, #tpu.memory_space<hbm>>
    tpu.wait_dma2 semaphore(%arg20 : memref<!tpu.dma_semaphore, #tpu.memory_space<semaphore_mem>>) src(%arg6 : memref<16x1024xf32, #tpu.memory_space<vmem>>) dst(%dma_wait3A_115 : memref<16x1024xf32, #tpu.memory_space<hbm>>)
    %dma_start3A_116 = arith.constant 112 : i32
    %dma_start3A_117 = tpu.memref_slice %arg5[%dma_start3A_116] : memref<512xi32, #tpu.memory_space<vmem>> -> memref<16xi32, #tpu.memory_space<vmem>>
    %dma_start3A_118 = arith.constant 0 : i32
    %dma_start3A_119 = arith.constant 0 : i32
    %dma_start3A_120 = tpu.memref_slice %arg3[%dma_start3A_118, %dma_start3A_119] : memref<8192x1024xf32, #tpu.memory_space<hbm>> -> memref<8192x1024xf32, #tpu.memory_space<hbm>>
    tpu.enqueue_indirect_dma source(%dma_start3A_120 : memref<8192x1024xf32, #tpu.memory_space<hbm>>) target(%arg6 : memref<16x1024xf32, #tpu.memory_space<vmem>>) offsets(%dma_start3A_117 : memref<16xi32, #tpu.memory_space<vmem>>) semaphore(%arg13 : memref<!tpu.dma_semaphore, #tpu.memory_space<semaphore_mem>>)
    %dma_wait3A_121 = arith.constant 64 : i32
    %dma_wait3A_122 = tpu.memref_slice %arg5[%dma_wait3A_121] : memref<512xi32, #tpu.memory_space<vmem>> -> memref<16xi32, #tpu.memory_space<vmem>>
    %dma_wait3A_123 = arith.constant 0 : i32
    %dma_wait3A_124 = arith.constant 0 : i32
    %dma_wait3A_125 = tpu.memref_slice %arg3[%dma_wait3A_123, %dma_wait3A_124] : memref<8192x1024xf32, #tpu.memory_space<hbm>> -> memref<8192x1024xf32, #tpu.memory_space<hbm>>
    tpu.wait_indirect_dma semaphore(%arg17 : memref<!tpu.dma_semaphore, #tpu.memory_space<semaphore_mem>>) src(%dma_wait3A_125 : memref<8192x1024xf32, #tpu.memory_space<hbm>>) dst(%arg10 : memref<16x1024xf32, #tpu.memory_space<vmem>>)
    %add3A_126 = arith.constant 64 : i32
    %add3A_127 = arith.addi %mul3A_2, %add3A_126 : i32
    %dma_start3A_128 = arith.constant 0 : i32
    %dma_start3A_129 = tpu.memref_slice %arg4[%add3A_127, %dma_start3A_128] : memref<16384x1024xf32, #tpu.memory_space<hbm>> -> memref<16x1024xf32, #tpu.memory_space<hbm>>
    %dma_start3A_130 = arith.constant 0 : i32
    %dma_start3A_131 = tpu.memref_slice %arg4[%add3A_127, %dma_start3A_130] : memref<16384x1024xf32, #tpu.memory_space<hbm>> -> memref<16x1024xf32, #tpu.memory_space<hbm>>
    tpu.enqueue_dma source(%arg10 : memref<16x1024xf32, #tpu.memory_space<vmem>>) target(%dma_start3A_131 : memref<16x1024xf32, #tpu.memory_space<hbm>>) target_semaphore(%arg24 : memref<!tpu.dma_semaphore, #tpu.memory_space<semaphore_mem>>)
    %dma_wait3A_132 = arith.constant 0 : i32
    %dma_wait3A_133 = tpu.memref_slice %arg4[%add3A_75, %dma_wait3A_132] : memref<16384x1024xf32, #tpu.memory_space<hbm>> -> memref<16x1024xf32, #tpu.memory_space<hbm>>
    %dma_wait3A_134 = arith.constant 0 : i32
    %dma_wait3A_135 = tpu.memref_slice %arg4[%add3A_75, %dma_wait3A_134] : memref<16384x1024xf32, #tpu.memory_space<hbm>> -> memref<16x1024xf32, #tpu.memory_space<hbm>>
    tpu.wait_dma2 semaphore(%arg21 : memref<!tpu.dma_semaphore, #tpu.memory_space<semaphore_mem>>) src(%arg7 : memref<16x1024xf32, #tpu.memory_space<vmem>>) dst(%dma_wait3A_135 : memref<16x1024xf32, #tpu.memory_space<hbm>>)
    %dma_start3A_136 = arith.constant 128 : i32
    %dma_start3A_137 = tpu.memref_slice %arg5[%dma_start3A_136] : memref<512xi32, #tpu.memory_space<vmem>> -> memref<16xi32, #tpu.memory_space<vmem>>
    %dma_start3A_138 = arith.constant 0 : i32
    %dma_start3A_139 = arith.constant 0 : i32
    %dma_start3A_140 = tpu.memref_slice %arg3[%dma_start3A_138, %dma_start3A_139] : memref<8192x1024xf32, #tpu.memory_space<hbm>> -> memref<8192x1024xf32, #tpu.memory_space<hbm>>
    tpu.enqueue_indirect_dma source(%dma_start3A_140 : memref<8192x1024xf32, #tpu.memory_space<hbm>>) target(%arg7 : memref<16x1024xf32, #tpu.memory_space<vmem>>) offsets(%dma_start3A_137 : memref<16xi32, #tpu.memory_space<vmem>>) semaphore(%arg14 : memref<!tpu.dma_semaphore, #tpu.memory_space<semaphore_mem>>)
    %dma_wait3A_141 = arith.constant 80 : i32
    %dma_wait3A_142 = tpu.memref_slice %arg5[%dma_wait3A_141] : memref<512xi32, #tpu.memory_space<vmem>> -> memref<16xi32, #tpu.memory_space<vmem>>
    %dma_wait3A_143 = arith.constant 0 : i32
    %dma_wait3A_144 = arith.constant 0 : i32
    %dma_wait3A_145 = tpu.memref_slice %arg3[%dma_wait3A_143, %dma_wait3A_144] : memref<8192x1024xf32, #tpu.memory_space<hbm>> -> memref<8192x1024xf32, #tpu.memory_space<hbm>>
    tpu.wait_indirect_dma semaphore(%arg18 : memref<!tpu.dma_semaphore, #tpu.memory_space<semaphore_mem>>) src(%dma_wait3A_145 : memref<8192x1024xf32, #tpu.memory_space<hbm>>) dst(%arg11 : memref<16x1024xf32, #tpu.memory_space<vmem>>)
    %add3A_146 = arith.constant 80 : i32
    %add3A_147 = arith.addi %mul3A_2, %add3A_146 : i32
    %dma_start3A_148 = arith.constant 0 : i32
    %dma_start3A_149 = tpu.memref_slice %arg4[%add3A_147, %dma_start3A_148] : memref<16384x1024xf32, #tpu.memory_space<hbm>> -> memref<16x1024xf32, #tpu.memory_space<hbm>>
    %dma_start3A_150 = arith.constant 0 : i32
    %dma_start3A_151 = tpu.memref_slice %arg4[%add3A_147, %dma_start3A_150] : memref<16384x1024xf32, #tpu.memory_space<hbm>> -> memref<16x1024xf32, #tpu.memory_space<hbm>>
    tpu.enqueue_dma source(%arg11 : memref<16x1024xf32, #tpu.memory_space<vmem>>) target(%dma_start3A_151 : memref<16x1024xf32, #tpu.memory_space<hbm>>) target_semaphore(%arg25 : memref<!tpu.dma_semaphore, #tpu.memory_space<semaphore_mem>>)
    %dma_wait3A_152 = arith.constant 0 : i32
    %dma_wait3A_153 = tpu.memref_slice %arg4[%add3A_91, %dma_wait3A_152] : memref<16384x1024xf32, #tpu.memory_space<hbm>> -> memref<16x1024xf32, #tpu.memory_space<hbm>>
    %dma_wait3A_154 = arith.constant 0 : i32
    %dma_wait3A_155 = tpu.memref_slice %arg4[%add3A_91, %dma_wait3A_154] : memref<16384x1024xf32, #tpu.memory_space<hbm>> -> memref<16x1024xf32, #tpu.memory_space<hbm>>
    tpu.wait_dma2 semaphore(%arg22 : memref<!tpu.dma_semaphore, #tpu.memory_space<semaphore_mem>>) src(%arg8 : memref<16x1024xf32, #tpu.memory_space<vmem>>) dst(%dma_wait3A_155 : memref<16x1024xf32, #tpu.memory_space<hbm>>)
    %dma_start3A_156 = arith.constant 144 : i32
    %dma_start3A_157 = tpu.memref_slice %arg5[%dma_start3A_156] : memref<512xi32, #tpu.memory_space<vmem>> -> memref<16xi32, #tpu.memory_space<vmem>>
    %dma_start3A_158 = arith.constant 0 : i32
    %dma_start3A_159 = arith.constant 0 : i32
    %dma_start3A_160 = tpu.memref_slice %arg3[%dma_start3A_158, %dma_start3A_159] : memref<8192x1024xf32, #tpu.memory_space<hbm>> -> memref<8192x1024xf32, #tpu.memory_space<hbm>>
    tpu.enqueue_indirect_dma source(%dma_start3A_160 : memref<8192x1024xf32, #tpu.memory_space<hbm>>) target(%arg8 : memref<16x1024xf32, #tpu.memory_space<vmem>>) offsets(%dma_start3A_157 : memref<16xi32, #tpu.memory_space<vmem>>) semaphore(%arg15 : memref<!tpu.dma_semaphore, #tpu.memory_space<semaphore_mem>>)
    %dma_wait3A_161 = arith.constant 96 : i32
    %dma_wait3A_162 = tpu.memref_slice %arg5[%dma_wait3A_161] : memref<512xi32, #tpu.memory_space<vmem>> -> memref<16xi32, #tpu.memory_space<vmem>>
    %dma_wait3A_163 = arith.constant 0 : i32
    %dma_wait3A_164 = arith.constant 0 : i32
    %dma_wait3A_165 = tpu.memref_slice %arg3[%dma_wait3A_163, %dma_wait3A_164] : memref<8192x1024xf32, #tpu.memory_space<hbm>> -> memref<8192x1024xf32, #tpu.memory_space<hbm>>
    tpu.wait_indirect_dma semaphore(%arg19 : memref<!tpu.dma_semaphore, #tpu.memory_space<semaphore_mem>>) src(%dma_wait3A_165 : memref<8192x1024xf32, #tpu.memory_space<hbm>>) dst(%arg12 : memref<16x1024xf32, #tpu.memory_space<vmem>>)
    %add3A_166 = arith.constant 96 : i32
    %add3A_167 = arith.addi %mul3A_2, %add3A_166 : i32
    %dma_start3A_168 = arith.constant 0 : i32
    %dma_start3A_169 = tpu.memref_slice %arg4[%add3A_167, %dma_start3A_168] : memref<16384x1024xf32, #tpu.memory_space<hbm>> -> memref<16x1024xf32, #tpu.memory_space<hbm>>
    %dma_start3A_170 = arith.constant 0 : i32
    %dma_start3A_171 = tpu.memref_slice %arg4[%add3A_167, %dma_start3A_170] : memref<16384x1024xf32, #tpu.memory_space<hbm>> -> memref<16x1024xf32, #tpu.memory_space<hbm>>
    tpu.enqueue_dma source(%arg12 : memref<16x1024xf32, #tpu.memory_space<vmem>>) target(%dma_start3A_171 : memref<16x1024xf32, #tpu.memory_space<hbm>>) target_semaphore(%arg26 : memref<!tpu.dma_semaphore, #tpu.memory_space<semaphore_mem>>)
    %dma_wait3A_172 = arith.constant 0 : i32
    %dma_wait3A_173 = tpu.memref_slice %arg4[%add3A_107, %dma_wait3A_172] : memref<16384x1024xf32, #tpu.memory_space<hbm>> -> memref<16x1024xf32, #tpu.memory_space<hbm>>
    %dma_wait3A_174 = arith.constant 0 : i32
    %dma_wait3A_175 = tpu.memref_slice %arg4[%add3A_107, %dma_wait3A_174] : memref<16384x1024xf32, #tpu.memory_space<hbm>> -> memref<16x1024xf32, #tpu.memory_space<hbm>>
    tpu.wait_dma2 semaphore(%arg23 : memref<!tpu.dma_semaphore, #tpu.memory_space<semaphore_mem>>) src(%arg9 : memref<16x1024xf32, #tpu.memory_space<vmem>>) dst(%dma_wait3A_175 : memref<16x1024xf32, #tpu.memory_space<hbm>>)
    %dma_start3A_176 = arith.constant 160 : i32
    %dma_start3A_177 = tpu.memref_slice %arg5[%dma_start3A_176] : memref<512xi32, #tpu.memory_space<vmem>> -> memref<16xi32, #tpu.memory_space<vmem>>
    %dma_start3A_178 = arith.constant 0 : i32
    %dma_start3A_179 = arith.constant 0 : i32
    %dma_start3A_180 = tpu.memref_slice %arg3[%dma_start3A_178, %dma_start3A_179] : memref<8192x1024xf32, #tpu.memory_space<hbm>> -> memref<8192x1024xf32, #tpu.memory_space<hbm>>
    tpu.enqueue_indirect_dma source(%dma_start3A_180 : memref<8192x1024xf32, #tpu.memory_space<hbm>>) target(%arg9 : memref<16x1024xf32, #tpu.memory_space<vmem>>) offsets(%dma_start3A_177 : memref<16xi32, #tpu.memory_space<vmem>>) semaphore(%arg16 : memref<!tpu.dma_semaphore, #tpu.memory_space<semaphore_mem>>)
    %dma_wait3A_181 = arith.constant 112 : i32
    %dma_wait3A_182 = tpu.memref_slice %arg5[%dma_wait3A_181] : memref<512xi32, #tpu.memory_space<vmem>> -> memref<16xi32, #tpu.memory_space<vmem>>
    %dma_wait3A_183 = arith.constant 0 : i32
    %dma_wait3A_184 = arith.constant 0 : i32
    %dma_wait3A_185 = tpu.memref_slice %arg3[%dma_wait3A_183, %dma_wait3A_184] : memref<8192x1024xf32, #tpu.memory_space<hbm>> -> memref<8192x1024xf32, #tpu.memory_space<hbm>>
    tpu.wait_indirect_dma semaphore(%arg13 : memref<!tpu.dma_semaphore, #tpu.memory_space<semaphore_mem>>) src(%dma_wait3A_185 : memref<8192x1024xf32, #tpu.memory_space<hbm>>) dst(%arg6 : memref<16x1024xf32, #tpu.memory_space<vmem>>)
    %add3A_186 = arith.constant 112 : i32
    %add3A_187 = arith.addi %mul3A_2, %add3A_186 : i32
    %dma_start3A_188 = arith.constant 0 : i32
    %dma_start3A_189 = tpu.memref_slice %arg4[%add3A_187, %dma_start3A_188] : memref<16384x1024xf32, #tpu.memory_space<hbm>> -> memref<16x1024xf32, #tpu.memory_space<hbm>>
    %dma_start3A_190 = arith.constant 0 : i32
    %dma_start3A_191 = tpu.memref_slice %arg4[%add3A_187, %dma_start3A_190] : memref<16384x1024xf32, #tpu.memory_space<hbm>> -> memref<16x1024xf32, #tpu.memory_space<hbm>>
    tpu.enqueue_dma source(%arg6 : memref<16x1024xf32, #tpu.memory_space<vmem>>) target(%dma_start3A_191 : memref<16x1024xf32, #tpu.memory_space<hbm>>) target_semaphore(%arg20 : memref<!tpu.dma_semaphore, #tpu.memory_space<semaphore_mem>>)
    %dma_wait3A_192 = arith.constant 0 : i32
    %dma_wait3A_193 = tpu.memref_slice %arg4[%add3A_127, %dma_wait3A_192] : memref<16384x1024xf32, #tpu.memory_space<hbm>> -> memref<16x1024xf32, #tpu.memory_space<hbm>>
    %dma_wait3A_194 = arith.constant 0 : i32
    %dma_wait3A_195 = tpu.memref_slice %arg4[%add3A_127, %dma_wait3A_194] : memref<16384x1024xf32, #tpu.memory_space<hbm>> -> memref<16x1024xf32, #tpu.memory_space<hbm>>
    tpu.wait_dma2 semaphore(%arg24 : memref<!tpu.dma_semaphore, #tpu.memory_space<semaphore_mem>>) src(%arg10 : memref<16x1024xf32, #tpu.memory_space<vmem>>) dst(%dma_wait3A_195 : memref<16x1024xf32, #tpu.memory_space<hbm>>)
    %dma_start3A_196 = arith.constant 176 : i32
    %dma_start3A_197 = tpu.memref_slice %arg5[%dma_start3A_196] : memref<512xi32, #tpu.memory_space<vmem>> -> memref<16xi32, #tpu.memory_space<vmem>>
    %dma_start3A_198 = arith.constant 0 : i32
    %dma_start3A_199 = arith.constant 0 : i32
    %dma_start3A_200 = tpu.memref_slice %arg3[%dma_start3A_198, %dma_start3A_199] : memref<8192x1024xf32, #tpu.memory_space<hbm>> -> memref<8192x1024xf32, #tpu.memory_space<hbm>>
    tpu.enqueue_indirect_dma source(%dma_start3A_200 : memref<8192x1024xf32, #tpu.memory_space<hbm>>) target(%arg10 : memref<16x1024xf32, #tpu.memory_space<vmem>>) offsets(%dma_start3A_197 : memref<16xi32, #tpu.memory_space<vmem>>) semaphore(%arg17 : memref<!tpu.dma_semaphore, #tpu.memory_space<semaphore_mem>>)
    %dma_wait3A_201 = arith.constant 128 : i32
    %dma_wait3A_202 = tpu.memref_slice %arg5[%dma_wait3A_201] : memref<512xi32, #tpu.memory_space<vmem>> -> memref<16xi32, #tpu.memory_space<vmem>>
    %dma_wait3A_203 = arith.constant 0 : i32
    %dma_wait3A_204 = arith.constant 0 : i32
    %dma_wait3A_205 = tpu.memref_slice %arg3[%dma_wait3A_203, %dma_wait3A_204] : memref<8192x1024xf32, #tpu.memory_space<hbm>> -> memref<8192x1024xf32, #tpu.memory_space<hbm>>
    tpu.wait_indirect_dma semaphore(%arg14 : memref<!tpu.dma_semaphore, #tpu.memory_space<semaphore_mem>>) src(%dma_wait3A_205 : memref<8192x1024xf32, #tpu.memory_space<hbm>>) dst(%arg7 : memref<16x1024xf32, #tpu.memory_space<vmem>>)
    %add3A_206 = arith.constant 128 : i32
    %add3A_207 = arith.addi %mul3A_2, %add3A_206 : i32
    %dma_start3A_208 = arith.constant 0 : i32
    %dma_start3A_209 = tpu.memref_slice %arg4[%add3A_207, %dma_start3A_208] : memref<16384x1024xf32, #tpu.memory_space<hbm>> -> memref<16x1024xf32, #tpu.memory_space<hbm>>
    %dma_start3A_210 = arith.constant 0 : i32
    %dma_start3A_211 = tpu.memref_slice %arg4[%add3A_207, %dma_start3A_210] : memref<16384x1024xf32, #tpu.memory_space<hbm>> -> memref<16x1024xf32, #tpu.memory_space<hbm>>
    tpu.enqueue_dma source(%arg7 : memref<16x1024xf32, #tpu.memory_space<vmem>>) target(%dma_start3A_211 : memref<16x1024xf32, #tpu.memory_space<hbm>>) target_semaphore(%arg21 : memref<!tpu.dma_semaphore, #tpu.memory_space<semaphore_mem>>)
    %dma_wait3A_212 = arith.constant 0 : i32
    %dma_wait3A_213 = tpu.memref_slice %arg4[%add3A_147, %dma_wait3A_212] : memref<16384x1024xf32, #tpu.memory_space<hbm>> -> memref<16x1024xf32, #tpu.memory_space<hbm>>
    %dma_wait3A_214 = arith.constant 0 : i32
    %dma_wait3A_215 = tpu.memref_slice %arg4[%add3A_147, %dma_wait3A_214] : memref<16384x1024xf32, #tpu.memory_space<hbm>> -> memref<16x1024xf32, #tpu.memory_space<hbm>>
    tpu.wait_dma2 semaphore(%arg25 : memref<!tpu.dma_semaphore, #tpu.memory_space<semaphore_mem>>) src(%arg11 : memref<16x1024xf32, #tpu.memory_space<vmem>>) dst(%dma_wait3A_215 : memref<16x1024xf32, #tpu.memory_space<hbm>>)
    %dma_start3A_216 = arith.constant 192 : i32
    %dma_start3A_217 = tpu.memref_slice %arg5[%dma_start3A_216] : memref<512xi32, #tpu.memory_space<vmem>> -> memref<16xi32, #tpu.memory_space<vmem>>
    %dma_start3A_218 = arith.constant 0 : i32
    %dma_start3A_219 = arith.constant 0 : i32
    %dma_start3A_220 = tpu.memref_slice %arg3[%dma_start3A_218, %dma_start3A_219] : memref<8192x1024xf32, #tpu.memory_space<hbm>> -> memref<8192x1024xf32, #tpu.memory_space<hbm>>
    tpu.enqueue_indirect_dma source(%dma_start3A_220 : memref<8192x1024xf32, #tpu.memory_space<hbm>>) target(%arg11 : memref<16x1024xf32, #tpu.memory_space<vmem>>) offsets(%dma_start3A_217 : memref<16xi32, #tpu.memory_space<vmem>>) semaphore(%arg18 : memref<!tpu.dma_semaphore, #tpu.memory_space<semaphore_mem>>)
    %dma_wait3A_221 = arith.constant 144 : i32
    %dma_wait3A_222 = tpu.memref_slice %arg5[%dma_wait3A_221] : memref<512xi32, #tpu.memory_space<vmem>> -> memref<16xi32, #tpu.memory_space<vmem>>
    %dma_wait3A_223 = arith.constant 0 : i32
    %dma_wait3A_224 = arith.constant 0 : i32
    %dma_wait3A_225 = tpu.memref_slice %arg3[%dma_wait3A_223, %dma_wait3A_224] : memref<8192x1024xf32, #tpu.memory_space<hbm>> -> memref<8192x1024xf32, #tpu.memory_space<hbm>>
    tpu.wait_indirect_dma semaphore(%arg15 : memref<!tpu.dma_semaphore, #tpu.memory_space<semaphore_mem>>) src(%dma_wait3A_225 : memref<8192x1024xf32, #tpu.memory_space<hbm>>) dst(%arg8 : memref<16x1024xf32, #tpu.memory_space<vmem>>)
    %add3A_226 = arith.constant 144 : i32
    %add3A_227 = arith.addi %mul3A_2, %add3A_226 : i32
    %dma_start3A_228 = arith.constant 0 : i32
    %dma_start3A_229 = tpu.memref_slice %arg4[%add3A_227, %dma_start3A_228] : memref<16384x1024xf32, #tpu.memory_space<hbm>> -> memref<16x1024xf32, #tpu.memory_space<hbm>>
    %dma_start3A_230 = arith.constant 0 : i32
    %dma_start3A_231 = tpu.memref_slice %arg4[%add3A_227, %dma_start3A_230] : memref<16384x1024xf32, #tpu.memory_space<hbm>> -> memref<16x1024xf32, #tpu.memory_space<hbm>>
    tpu.enqueue_dma source(%arg8 : memref<16x1024xf32, #tpu.memory_space<vmem>>) target(%dma_start3A_231 : memref<16x1024xf32, #tpu.memory_space<hbm>>) target_semaphore(%arg22 : memref<!tpu.dma_semaphore, #tpu.memory_space<semaphore_mem>>)
    %dma_wait3A_232 = arith.constant 0 : i32
    %dma_wait3A_233 = tpu.memref_slice %arg4[%add3A_167, %dma_wait3A_232] : memref<16384x1024xf32, #tpu.memory_space<hbm>> -> memref<16x1024xf32, #tpu.memory_space<hbm>>
    %dma_wait3A_234 = arith.constant 0 : i32
    %dma_wait3A_235 = tpu.memref_slice %arg4[%add3A_167, %dma_wait3A_234] : memref<16384x1024xf32, #tpu.memory_space<hbm>> -> memref<16x1024xf32, #tpu.memory_space<hbm>>
    tpu.wait_dma2 semaphore(%arg26 : memref<!tpu.dma_semaphore, #tpu.memory_space<semaphore_mem>>) src(%arg12 : memref<16x1024xf32, #tpu.memory_space<vmem>>) dst(%dma_wait3A_235 : memref<16x1024xf32, #tpu.memory_space<hbm>>)
    %dma_start3A_236 = arith.constant 208 : i32
    %dma_start3A_237 = tpu.memref_slice %arg5[%dma_start3A_236] : memref<512xi32, #tpu.memory_space<vmem>> -> memref<16xi32, #tpu.memory_space<vmem>>
    %dma_start3A_238 = arith.constant 0 : i32
    %dma_start3A_239 = arith.constant 0 : i32
    %dma_start3A_240 = tpu.memref_slice %arg3[%dma_start3A_238, %dma_start3A_239] : memref<8192x1024xf32, #tpu.memory_space<hbm>> -> memref<8192x1024xf32, #tpu.memory_space<hbm>>
    tpu.enqueue_indirect_dma source(%dma_start3A_240 : memref<8192x1024xf32, #tpu.memory_space<hbm>>) target(%arg12 : memref<16x1024xf32, #tpu.memory_space<vmem>>) offsets(%dma_start3A_237 : memref<16xi32, #tpu.memory_space<vmem>>) semaphore(%arg19 : memref<!tpu.dma_semaphore, #tpu.memory_space<semaphore_mem>>)
    %dma_wait3A_241 = arith.constant 160 : i32
    %dma_wait3A_242 = tpu.memref_slice %arg5[%dma_wait3A_241] : memref<512xi32, #tpu.memory_space<vmem>> -> memref<16xi32, #tpu.memory_space<vmem>>
    %dma_wait3A_243 = arith.constant 0 : i32
    %dma_wait3A_244 = arith.constant 0 : i32
    %dma_wait3A_245 = tpu.memref_slice %arg3[%dma_wait3A_243, %dma_wait3A_244] : memref<8192x1024xf32, #tpu.memory_space<hbm>> -> memref<8192x1024xf32, #tpu.memory_space<hbm>>
    tpu.wait_indirect_dma semaphore(%arg16 : memref<!tpu.dma_semaphore, #tpu.memory_space<semaphore_mem>>) src(%dma_wait3A_245 : memref<8192x1024xf32, #tpu.memory_space<hbm>>) dst(%arg9 : memref<16x1024xf32, #tpu.memory_space<vmem>>)
    %add3A_246 = arith.constant 160 : i32
    %add3A_247 = arith.addi %mul3A_2, %add3A_246 : i32
    %dma_start3A_248 = arith.constant 0 : i32
    %dma_start3A_249 = tpu.memref_slice %arg4[%add3A_247, %dma_start3A_248] : memref<16384x1024xf32, #tpu.memory_space<hbm>> -> memref<16x1024xf32, #tpu.memory_space<hbm>>
    %dma_start3A_250 = arith.constant 0 : i32
    %dma_start3A_251 = tpu.memref_slice %arg4[%add3A_247, %dma_start3A_250] : memref<16384x1024xf32, #tpu.memory_space<hbm>> -> memref<16x1024xf32, #tpu.memory_space<hbm>>
    tpu.enqueue_dma source(%arg9 : memref<16x1024xf32, #tpu.memory_space<vmem>>) target(%dma_start3A_251 : memref<16x1024xf32, #tpu.memory_space<hbm>>) target_semaphore(%arg23 : memref<!tpu.dma_semaphore, #tpu.memory_space<semaphore_mem>>)
    %dma_wait3A_252 = arith.constant 0 : i32
    %dma_wait3A_253 = tpu.memref_slice %arg4[%add3A_187, %dma_wait3A_252] : memref<16384x1024xf32, #tpu.memory_space<hbm>> -> memref<16x1024xf32, #tpu.memory_space<hbm>>
    %dma_wait3A_254 = arith.constant 0 : i32
    %dma_wait3A_255 = tpu.memref_slice %arg4[%add3A_187, %dma_wait3A_254] : memref<16384x1024xf32, #tpu.memory_space<hbm>> -> memref<16x1024xf32, #tpu.memory_space<hbm>>
    tpu.wait_dma2 semaphore(%arg20 : memref<!tpu.dma_semaphore, #tpu.memory_space<semaphore_mem>>) src(%arg6 : memref<16x1024xf32, #tpu.memory_space<vmem>>) dst(%dma_wait3A_255 : memref<16x1024xf32, #tpu.memory_space<hbm>>)
    %dma_start3A_256 = arith.constant 224 : i32
    %dma_start3A_257 = tpu.memref_slice %arg5[%dma_start3A_256] : memref<512xi32, #tpu.memory_space<vmem>> -> memref<16xi32, #tpu.memory_space<vmem>>
    %dma_start3A_258 = arith.constant 0 : i32
    %dma_start3A_259 = arith.constant 0 : i32
    %dma_start3A_260 = tpu.memref_slice %arg3[%dma_start3A_258, %dma_start3A_259] : memref<8192x1024xf32, #tpu.memory_space<hbm>> -> memref<8192x1024xf32, #tpu.memory_space<hbm>>
    tpu.enqueue_indirect_dma source(%dma_start3A_260 : memref<8192x1024xf32, #tpu.memory_space<hbm>>) target(%arg6 : memref<16x1024xf32, #tpu.memory_space<vmem>>) offsets(%dma_start3A_257 : memref<16xi32, #tpu.memory_space<vmem>>) semaphore(%arg13 : memref<!tpu.dma_semaphore, #tpu.memory_space<semaphore_mem>>)
    %dma_wait3A_261 = arith.constant 176 : i32
    %dma_wait3A_262 = tpu.memref_slice %arg5[%dma_wait3A_261] : memref<512xi32, #tpu.memory_space<vmem>> -> memref<16xi32, #tpu.memory_space<vmem>>
    %dma_wait3A_263 = arith.constant 0 : i32
    %dma_wait3A_264 = arith.constant 0 : i32
    %dma_wait3A_265 = tpu.memref_slice %arg3[%dma_wait3A_263, %dma_wait3A_264] : memref<8192x1024xf32, #tpu.memory_space<hbm>> -> memref<8192x1024xf32, #tpu.memory_space<hbm>>
    tpu.wait_indirect_dma semaphore(%arg17 : memref<!tpu.dma_semaphore, #tpu.memory_space<semaphore_mem>>) src(%dma_wait3A_265 : memref<8192x1024xf32, #tpu.memory_space<hbm>>) dst(%arg10 : memref<16x1024xf32, #tpu.memory_space<vmem>>)
    %add3A_266 = arith.constant 176 : i32
    %add3A_267 = arith.addi %mul3A_2, %add3A_266 : i32
    %dma_start3A_268 = arith.constant 0 : i32
    %dma_start3A_269 = tpu.memref_slice %arg4[%add3A_267, %dma_start3A_268] : memref<16384x1024xf32, #tpu.memory_space<hbm>> -> memref<16x1024xf32, #tpu.memory_space<hbm>>
    %dma_start3A_270 = arith.constant 0 : i32
    %dma_start3A_271 = tpu.memref_slice %arg4[%add3A_267, %dma_start3A_270] : memref<16384x1024xf32, #tpu.memory_space<hbm>> -> memref<16x1024xf32, #tpu.memory_space<hbm>>
    tpu.enqueue_dma source(%arg10 : memref<16x1024xf32, #tpu.memory_space<vmem>>) target(%dma_start3A_271 : memref<16x1024xf32, #tpu.memory_space<hbm>>) target_semaphore(%arg24 : memref<!tpu.dma_semaphore, #tpu.memory_space<semaphore_mem>>)
    %dma_wait3A_272 = arith.constant 0 : i32
    %dma_wait3A_273 = tpu.memref_slice %arg4[%add3A_207, %dma_wait3A_272] : memref<16384x1024xf32, #tpu.memory_space<hbm>> -> memref<16x1024xf32, #tpu.memory_space<hbm>>
    %dma_wait3A_274 = arith.constant 0 : i32
    %dma_wait3A_275 = tpu.memref_slice %arg4[%add3A_207, %dma_wait3A_274] : memref<16384x1024xf32, #tpu.memory_space<hbm>> -> memref<16x1024xf32, #tpu.memory_space<hbm>>
    tpu.wait_dma2 semaphore(%arg21 : memref<!tpu.dma_semaphore, #tpu.memory_space<semaphore_mem>>) src(%arg7 : memref<16x1024xf32, #tpu.memory_space<vmem>>) dst(%dma_wait3A_275 : memref<16x1024xf32, #tpu.memory_space<hbm>>)
    %dma_start3A_276 = arith.constant 240 : i32
    %dma_start3A_277 = tpu.memref_slice %arg5[%dma_start3A_276] : memref<512xi32, #tpu.memory_space<vmem>> -> memref<16xi32, #tpu.memory_space<vmem>>
    %dma_start3A_278 = arith.constant 0 : i32
    %dma_start3A_279 = arith.constant 0 : i32
    %dma_start3A_280 = tpu.memref_slice %arg3[%dma_start3A_278, %dma_start3A_279] : memref<8192x1024xf32, #tpu.memory_space<hbm>> -> memref<8192x1024xf32, #tpu.memory_space<hbm>>
    tpu.enqueue_indirect_dma source(%dma_start3A_280 : memref<8192x1024xf32, #tpu.memory_space<hbm>>) target(%arg7 : memref<16x1024xf32, #tpu.memory_space<vmem>>) offsets(%dma_start3A_277 : memref<16xi32, #tpu.memory_space<vmem>>) semaphore(%arg14 : memref<!tpu.dma_semaphore, #tpu.memory_space<semaphore_mem>>)
    %dma_wait3A_281 = arith.constant 192 : i32
    %dma_wait3A_282 = tpu.memref_slice %arg5[%dma_wait3A_281] : memref<512xi32, #tpu.memory_space<vmem>> -> memref<16xi32, #tpu.memory_space<vmem>>
    %dma_wait3A_283 = arith.constant 0 : i32
    %dma_wait3A_284 = arith.constant 0 : i32
    %dma_wait3A_285 = tpu.memref_slice %arg3[%dma_wait3A_283, %dma_wait3A_284] : memref<8192x1024xf32, #tpu.memory_space<hbm>> -> memref<8192x1024xf32, #tpu.memory_space<hbm>>
    tpu.wait_indirect_dma semaphore(%arg18 : memref<!tpu.dma_semaphore, #tpu.memory_space<semaphore_mem>>) src(%dma_wait3A_285 : memref<8192x1024xf32, #tpu.memory_space<hbm>>) dst(%arg11 : memref<16x1024xf32, #tpu.memory_space<vmem>>)
    %add3A_286 = arith.constant 192 : i32
    %add3A_287 = arith.addi %mul3A_2, %add3A_286 : i32
    %dma_start3A_288 = arith.constant 0 : i32
    %dma_start3A_289 = tpu.memref_slice %arg4[%add3A_287, %dma_start3A_288] : memref<16384x1024xf32, #tpu.memory_space<hbm>> -> memref<16x1024xf32, #tpu.memory_space<hbm>>
    %dma_start3A_290 = arith.constant 0 : i32
    %dma_start3A_291 = tpu.memref_slice %arg4[%add3A_287, %dma_start3A_290] : memref<16384x1024xf32, #tpu.memory_space<hbm>> -> memref<16x1024xf32, #tpu.memory_space<hbm>>
    tpu.enqueue_dma source(%arg11 : memref<16x1024xf32, #tpu.memory_space<vmem>>) target(%dma_start3A_291 : memref<16x1024xf32, #tpu.memory_space<hbm>>) target_semaphore(%arg25 : memref<!tpu.dma_semaphore, #tpu.memory_space<semaphore_mem>>)
    %dma_wait3A_292 = arith.constant 0 : i32
    %dma_wait3A_293 = tpu.memref_slice %arg4[%add3A_227, %dma_wait3A_292] : memref<16384x1024xf32, #tpu.memory_space<hbm>> -> memref<16x1024xf32, #tpu.memory_space<hbm>>
    %dma_wait3A_294 = arith.constant 0 : i32
    %dma_wait3A_295 = tpu.memref_slice %arg4[%add3A_227, %dma_wait3A_294] : memref<16384x1024xf32, #tpu.memory_space<hbm>> -> memref<16x1024xf32, #tpu.memory_space<hbm>>
    tpu.wait_dma2 semaphore(%arg22 : memref<!tpu.dma_semaphore, #tpu.memory_space<semaphore_mem>>) src(%arg8 : memref<16x1024xf32, #tpu.memory_space<vmem>>) dst(%dma_wait3A_295 : memref<16x1024xf32, #tpu.memory_space<hbm>>)
    %dma_start3A_296 = arith.constant 256 : i32
    %dma_start3A_297 = tpu.memref_slice %arg5[%dma_start3A_296] : memref<512xi32, #tpu.memory_space<vmem>> -> memref<16xi32, #tpu.memory_space<vmem>>
    %dma_start3A_298 = arith.constant 0 : i32
    %dma_start3A_299 = arith.constant 0 : i32
    %dma_start3A_300 = tpu.memref_slice %arg3[%dma_start3A_298, %dma_start3A_299] : memref<8192x1024xf32, #tpu.memory_space<hbm>> -> memref<8192x1024xf32, #tpu.memory_space<hbm>>
    tpu.enqueue_indirect_dma source(%dma_start3A_300 : memref<8192x1024xf32, #tpu.memory_space<hbm>>) target(%arg8 : memref<16x1024xf32, #tpu.memory_space<vmem>>) offsets(%dma_start3A_297 : memref<16xi32, #tpu.memory_space<vmem>>) semaphore(%arg15 : memref<!tpu.dma_semaphore, #tpu.memory_space<semaphore_mem>>)
    %dma_wait3A_301 = arith.constant 208 : i32
    %dma_wait3A_302 = tpu.memref_slice %arg5[%dma_wait3A_301] : memref<512xi32, #tpu.memory_space<vmem>> -> memref<16xi32, #tpu.memory_space<vmem>>
    %dma_wait3A_303 = arith.constant 0 : i32
    %dma_wait3A_304 = arith.constant 0 : i32
    %dma_wait3A_305 = tpu.memref_slice %arg3[%dma_wait3A_303, %dma_wait3A_304] : memref<8192x1024xf32, #tpu.memory_space<hbm>> -> memref<8192x1024xf32, #tpu.memory_space<hbm>>
    tpu.wait_indirect_dma semaphore(%arg19 : memref<!tpu.dma_semaphore, #tpu.memory_space<semaphore_mem>>) src(%dma_wait3A_305 : memref<8192x1024xf32, #tpu.memory_space<hbm>>) dst(%arg12 : memref<16x1024xf32, #tpu.memory_space<vmem>>)
    %add3A_306 = arith.constant 208 : i32
    %add3A_307 = arith.addi %mul3A_2, %add3A_306 : i32
    %dma_start3A_308 = arith.constant 0 : i32
    %dma_start3A_309 = tpu.memref_slice %arg4[%add3A_307, %dma_start3A_308] : memref<16384x1024xf32, #tpu.memory_space<hbm>> -> memref<16x1024xf32, #tpu.memory_space<hbm>>
    %dma_start3A_310 = arith.constant 0 : i32
    %dma_start3A_311 = tpu.memref_slice %arg4[%add3A_307, %dma_start3A_310] : memref<16384x1024xf32, #tpu.memory_space<hbm>> -> memref<16x1024xf32, #tpu.memory_space<hbm>>
    tpu.enqueue_dma source(%arg12 : memref<16x1024xf32, #tpu.memory_space<vmem>>) target(%dma_start3A_311 : memref<16x1024xf32, #tpu.memory_space<hbm>>) target_semaphore(%arg26 : memref<!tpu.dma_semaphore, #tpu.memory_space<semaphore_mem>>)
    %dma_wait3A_312 = arith.constant 0 : i32
    %dma_wait3A_313 = tpu.memref_slice %arg4[%add3A_247, %dma_wait3A_312] : memref<16384x1024xf32, #tpu.memory_space<hbm>> -> memref<16x1024xf32, #tpu.memory_space<hbm>>
    %dma_wait3A_314 = arith.constant 0 : i32
    %dma_wait3A_315 = tpu.memref_slice %arg4[%add3A_247, %dma_wait3A_314] : memref<16384x1024xf32, #tpu.memory_space<hbm>> -> memref<16x1024xf32, #tpu.memory_space<hbm>>
    tpu.wait_dma2 semaphore(%arg23 : memref<!tpu.dma_semaphore, #tpu.memory_space<semaphore_mem>>) src(%arg9 : memref<16x1024xf32, #tpu.memory_space<vmem>>) dst(%dma_wait3A_315 : memref<16x1024xf32, #tpu.memory_space<hbm>>)
    %dma_start3A_316 = arith.constant 272 : i32
    %dma_start3A_317 = tpu.memref_slice %arg5[%dma_start3A_316] : memref<512xi32, #tpu.memory_space<vmem>> -> memref<16xi32, #tpu.memory_space<vmem>>
    %dma_start3A_318 = arith.constant 0 : i32
    %dma_start3A_319 = arith.constant 0 : i32
    %dma_start3A_320 = tpu.memref_slice %arg3[%dma_start3A_318, %dma_start3A_319] : memref<8192x1024xf32, #tpu.memory_space<hbm>> -> memref<8192x1024xf32, #tpu.memory_space<hbm>>
    tpu.enqueue_indirect_dma source(%dma_start3A_320 : memref<8192x1024xf32, #tpu.memory_space<hbm>>) target(%arg9 : memref<16x1024xf32, #tpu.memory_space<vmem>>) offsets(%dma_start3A_317 : memref<16xi32, #tpu.memory_space<vmem>>) semaphore(%arg16 : memref<!tpu.dma_semaphore, #tpu.memory_space<semaphore_mem>>)
    %dma_wait3A_321 = arith.constant 224 : i32
    %dma_wait3A_322 = tpu.memref_slice %arg5[%dma_wait3A_321] : memref<512xi32, #tpu.memory_space<vmem>> -> memref<16xi32, #tpu.memory_space<vmem>>
    %dma_wait3A_323 = arith.constant 0 : i32
    %dma_wait3A_324 = arith.constant 0 : i32
    %dma_wait3A_325 = tpu.memref_slice %arg3[%dma_wait3A_323, %dma_wait3A_324] : memref<8192x1024xf32, #tpu.memory_space<hbm>> -> memref<8192x1024xf32, #tpu.memory_space<hbm>>
    tpu.wait_indirect_dma semaphore(%arg13 : memref<!tpu.dma_semaphore, #tpu.memory_space<semaphore_mem>>) src(%dma_wait3A_325 : memref<8192x1024xf32, #tpu.memory_space<hbm>>) dst(%arg6 : memref<16x1024xf32, #tpu.memory_space<vmem>>)
    %add3A_326 = arith.constant 224 : i32
    %add3A_327 = arith.addi %mul3A_2, %add3A_326 : i32
    %dma_start3A_328 = arith.constant 0 : i32
    %dma_start3A_329 = tpu.memref_slice %arg4[%add3A_327, %dma_start3A_328] : memref<16384x1024xf32, #tpu.memory_space<hbm>> -> memref<16x1024xf32, #tpu.memory_space<hbm>>
    %dma_start3A_330 = arith.constant 0 : i32
    %dma_start3A_331 = tpu.memref_slice %arg4[%add3A_327, %dma_start3A_330] : memref<16384x1024xf32, #tpu.memory_space<hbm>> -> memref<16x1024xf32, #tpu.memory_space<hbm>>
    tpu.enqueue_dma source(%arg6 : memref<16x1024xf32, #tpu.memory_space<vmem>>) target(%dma_start3A_331 : memref<16x1024xf32, #tpu.memory_space<hbm>>) target_semaphore(%arg20 : memref<!tpu.dma_semaphore, #tpu.memory_space<semaphore_mem>>)
    %dma_wait3A_332 = arith.constant 0 : i32
    %dma_wait3A_333 = tpu.memref_slice %arg4[%add3A_267, %dma_wait3A_332] : memref<16384x1024xf32, #tpu.memory_space<hbm>> -> memref<16x1024xf32, #tpu.memory_space<hbm>>
    %dma_wait3A_334 = arith.constant 0 : i32
    %dma_wait3A_335 = tpu.memref_slice %arg4[%add3A_267, %dma_wait3A_334] : memref<16384x1024xf32, #tpu.memory_space<hbm>> -> memref<16x1024xf32, #tpu.memory_space<hbm>>
    tpu.wait_dma2 semaphore(%arg24 : memref<!tpu.dma_semaphore, #tpu.memory_space<semaphore_mem>>) src(%arg10 : memref<16x1024xf32, #tpu.memory_space<vmem>>) dst(%dma_wait3A_335 : memref<16x1024xf32, #tpu.memory_space<hbm>>)
    %dma_start3A_336 = arith.constant 288 : i32
    %dma_start3A_337 = tpu.memref_slice %arg5[%dma_start3A_336] : memref<512xi32, #tpu.memory_space<vmem>> -> memref<16xi32, #tpu.memory_space<vmem>>
    %dma_start3A_338 = arith.constant 0 : i32
    %dma_start3A_339 = arith.constant 0 : i32
    %dma_start3A_340 = tpu.memref_slice %arg3[%dma_start3A_338, %dma_start3A_339] : memref<8192x1024xf32, #tpu.memory_space<hbm>> -> memref<8192x1024xf32, #tpu.memory_space<hbm>>
    tpu.enqueue_indirect_dma source(%dma_start3A_340 : memref<8192x1024xf32, #tpu.memory_space<hbm>>) target(%arg10 : memref<16x1024xf32, #tpu.memory_space<vmem>>) offsets(%dma_start3A_337 : memref<16xi32, #tpu.memory_space<vmem>>) semaphore(%arg17 : memref<!tpu.dma_semaphore, #tpu.memory_space<semaphore_mem>>)
    %dma_wait3A_341 = arith.constant 240 : i32
    %dma_wait3A_342 = tpu.memref_slice %arg5[%dma_wait3A_341] : memref<512xi32, #tpu.memory_space<vmem>> -> memref<16xi32, #tpu.memory_space<vmem>>
    %dma_wait3A_343 = arith.constant 0 : i32
    %dma_wait3A_344 = arith.constant 0 : i32
    %dma_wait3A_345 = tpu.memref_slice %arg3[%dma_wait3A_343, %dma_wait3A_344] : memref<8192x1024xf32, #tpu.memory_space<hbm>> -> memref<8192x1024xf32, #tpu.memory_space<hbm>>
    tpu.wait_indirect_dma semaphore(%arg14 : memref<!tpu.dma_semaphore, #tpu.memory_space<semaphore_mem>>) src(%dma_wait3A_345 : memref<8192x1024xf32, #tpu.memory_space<hbm>>) dst(%arg7 : memref<16x1024xf32, #tpu.memory_space<vmem>>)
    %add3A_346 = arith.constant 240 : i32
    %add3A_347 = arith.addi %mul3A_2, %add3A_346 : i32
    %dma_start3A_348 = arith.constant 0 : i32
    %dma_start3A_349 = tpu.memref_slice %arg4[%add3A_347, %dma_start3A_348] : memref<16384x1024xf32, #tpu.memory_space<hbm>> -> memref<16x1024xf32, #tpu.memory_space<hbm>>
    %dma_start3A_350 = arith.constant 0 : i32
    %dma_start3A_351 = tpu.memref_slice %arg4[%add3A_347, %dma_start3A_350] : memref<16384x1024xf32, #tpu.memory_space<hbm>> -> memref<16x1024xf32, #tpu.memory_space<hbm>>
    tpu.enqueue_dma source(%arg7 : memref<16x1024xf32, #tpu.memory_space<vmem>>) target(%dma_start3A_351 : memref<16x1024xf32, #tpu.memory_space<hbm>>) target_semaphore(%arg21 : memref<!tpu.dma_semaphore, #tpu.memory_space<semaphore_mem>>)
    %dma_wait3A_352 = arith.constant 0 : i32
    %dma_wait3A_353 = tpu.memref_slice %arg4[%add3A_287, %dma_wait3A_352] : memref<16384x1024xf32, #tpu.memory_space<hbm>> -> memref<16x1024xf32, #tpu.memory_space<hbm>>
    %dma_wait3A_354 = arith.constant 0 : i32
    %dma_wait3A_355 = tpu.memref_slice %arg4[%add3A_287, %dma_wait3A_354] : memref<16384x1024xf32, #tpu.memory_space<hbm>> -> memref<16x1024xf32, #tpu.memory_space<hbm>>
    tpu.wait_dma2 semaphore(%arg25 : memref<!tpu.dma_semaphore, #tpu.memory_space<semaphore_mem>>) src(%arg11 : memref<16x1024xf32, #tpu.memory_space<vmem>>) dst(%dma_wait3A_355 : memref<16x1024xf32, #tpu.memory_space<hbm>>)
    %dma_start3A_356 = arith.constant 304 : i32
    %dma_start3A_357 = tpu.memref_slice %arg5[%dma_start3A_356] : memref<512xi32, #tpu.memory_space<vmem>> -> memref<16xi32, #tpu.memory_space<vmem>>
    %dma_start3A_358 = arith.constant 0 : i32
    %dma_start3A_359 = arith.constant 0 : i32
    %dma_start3A_360 = tpu.memref_slice %arg3[%dma_start3A_358, %dma_start3A_359] : memref<8192x1024xf32, #tpu.memory_space<hbm>> -> memref<8192x1024xf32, #tpu.memory_space<hbm>>
    tpu.enqueue_indirect_dma source(%dma_start3A_360 : memref<8192x1024xf32, #tpu.memory_space<hbm>>) target(%arg11 : memref<16x1024xf32, #tpu.memory_space<vmem>>) offsets(%dma_start3A_357 : memref<16xi32, #tpu.memory_space<vmem>>) semaphore(%arg18 : memref<!tpu.dma_semaphore, #tpu.memory_space<semaphore_mem>>)
    %dma_wait3A_361 = arith.constant 256 : i32
    %dma_wait3A_362 = tpu.memref_slice %arg5[%dma_wait3A_361] : memref<512xi32, #tpu.memory_space<vmem>> -> memref<16xi32, #tpu.memory_space<vmem>>
    %dma_wait3A_363 = arith.constant 0 : i32
    %dma_wait3A_364 = arith.constant 0 : i32
    %dma_wait3A_365 = tpu.memref_slice %arg3[%dma_wait3A_363, %dma_wait3A_364] : memref<8192x1024xf32, #tpu.memory_space<hbm>> -> memref<8192x1024xf32, #tpu.memory_space<hbm>>
    tpu.wait_indirect_dma semaphore(%arg15 : memref<!tpu.dma_semaphore, #tpu.memory_space<semaphore_mem>>) src(%dma_wait3A_365 : memref<8192x1024xf32, #tpu.memory_space<hbm>>) dst(%arg8 : memref<16x1024xf32, #tpu.memory_space<vmem>>)
    %add3A_366 = arith.constant 256 : i32
    %add3A_367 = arith.addi %mul3A_2, %add3A_366 : i32
    %dma_start3A_368 = arith.constant 0 : i32
    %dma_start3A_369 = tpu.memref_slice %arg4[%add3A_367, %dma_start3A_368] : memref<16384x1024xf32, #tpu.memory_space<hbm>> -> memref<16x1024xf32, #tpu.memory_space<hbm>>
    %dma_start3A_370 = arith.constant 0 : i32
    %dma_start3A_371 = tpu.memref_slice %arg4[%add3A_367, %dma_start3A_370] : memref<16384x1024xf32, #tpu.memory_space<hbm>> -> memref<16x1024xf32, #tpu.memory_space<hbm>>
    tpu.enqueue_dma source(%arg8 : memref<16x1024xf32, #tpu.memory_space<vmem>>) target(%dma_start3A_371 : memref<16x1024xf32, #tpu.memory_space<hbm>>) target_semaphore(%arg22 : memref<!tpu.dma_semaphore, #tpu.memory_space<semaphore_mem>>)
    %dma_wait3A_372 = arith.constant 0 : i32
    %dma_wait3A_373 = tpu.memref_slice %arg4[%add3A_307, %dma_wait3A_372] : memref<16384x1024xf32, #tpu.memory_space<hbm>> -> memref<16x1024xf32, #tpu.memory_space<hbm>>
    %dma_wait3A_374 = arith.constant 0 : i32
    %dma_wait3A_375 = tpu.memref_slice %arg4[%add3A_307, %dma_wait3A_374] : memref<16384x1024xf32, #tpu.memory_space<hbm>> -> memref<16x1024xf32, #tpu.memory_space<hbm>>
    tpu.wait_dma2 semaphore(%arg26 : memref<!tpu.dma_semaphore, #tpu.memory_space<semaphore_mem>>) src(%arg12 : memref<16x1024xf32, #tpu.memory_space<vmem>>) dst(%dma_wait3A_375 : memref<16x1024xf32, #tpu.memory_space<hbm>>)
    %dma_start3A_376 = arith.constant 320 : i32
    %dma_start3A_377 = tpu.memref_slice %arg5[%dma_start3A_376] : memref<512xi32, #tpu.memory_space<vmem>> -> memref<16xi32, #tpu.memory_space<vmem>>
    %dma_start3A_378 = arith.constant 0 : i32
    %dma_start3A_379 = arith.constant 0 : i32
    %dma_start3A_380 = tpu.memref_slice %arg3[%dma_start3A_378, %dma_start3A_379] : memref<8192x1024xf32, #tpu.memory_space<hbm>> -> memref<8192x1024xf32, #tpu.memory_space<hbm>>
    tpu.enqueue_indirect_dma source(%dma_start3A_380 : memref<8192x1024xf32, #tpu.memory_space<hbm>>) target(%arg12 : memref<16x1024xf32, #tpu.memory_space<vmem>>) offsets(%dma_start3A_377 : memref<16xi32, #tpu.memory_space<vmem>>) semaphore(%arg19 : memref<!tpu.dma_semaphore, #tpu.memory_space<semaphore_mem>>)
    %dma_wait3A_381 = arith.constant 272 : i32
    %dma_wait3A_382 = tpu.memref_slice %arg5[%dma_wait3A_381] : memref<512xi32, #tpu.memory_space<vmem>> -> memref<16xi32, #tpu.memory_space<vmem>>
    %dma_wait3A_383 = arith.constant 0 : i32
    %dma_wait3A_384 = arith.constant 0 : i32
    %dma_wait3A_385 = tpu.memref_slice %arg3[%dma_wait3A_383, %dma_wait3A_384] : memref<8192x1024xf32, #tpu.memory_space<hbm>> -> memref<8192x1024xf32, #tpu.memory_space<hbm>>
    tpu.wait_indirect_dma semaphore(%arg16 : memref<!tpu.dma_semaphore, #tpu.memory_space<semaphore_mem>>) src(%dma_wait3A_385 : memref<8192x1024xf32, #tpu.memory_space<hbm>>) dst(%arg9 : memref<16x1024xf32, #tpu.memory_space<vmem>>)
    %add3A_386 = arith.constant 272 : i32
    %add3A_387 = arith.addi %mul3A_2, %add3A_386 : i32
    %dma_start3A_388 = arith.constant 0 : i32
    %dma_start3A_389 = tpu.memref_slice %arg4[%add3A_387, %dma_start3A_388] : memref<16384x1024xf32, #tpu.memory_space<hbm>> -> memref<16x1024xf32, #tpu.memory_space<hbm>>
    %dma_start3A_390 = arith.constant 0 : i32
    %dma_start3A_391 = tpu.memref_slice %arg4[%add3A_387, %dma_start3A_390] : memref<16384x1024xf32, #tpu.memory_space<hbm>> -> memref<16x1024xf32, #tpu.memory_space<hbm>>
    tpu.enqueue_dma source(%arg9 : memref<16x1024xf32, #tpu.memory_space<vmem>>) target(%dma_start3A_391 : memref<16x1024xf32, #tpu.memory_space<hbm>>) target_semaphore(%arg23 : memref<!tpu.dma_semaphore, #tpu.memory_space<semaphore_mem>>)
    %dma_wait3A_392 = arith.constant 0 : i32
    %dma_wait3A_393 = tpu.memref_slice %arg4[%add3A_327, %dma_wait3A_392] : memref<16384x1024xf32, #tpu.memory_space<hbm>> -> memref<16x1024xf32, #tpu.memory_space<hbm>>
    %dma_wait3A_394 = arith.constant 0 : i32
    %dma_wait3A_395 = tpu.memref_slice %arg4[%add3A_327, %dma_wait3A_394] : memref<16384x1024xf32, #tpu.memory_space<hbm>> -> memref<16x1024xf32, #tpu.memory_space<hbm>>
    tpu.wait_dma2 semaphore(%arg20 : memref<!tpu.dma_semaphore, #tpu.memory_space<semaphore_mem>>) src(%arg6 : memref<16x1024xf32, #tpu.memory_space<vmem>>) dst(%dma_wait3A_395 : memref<16x1024xf32, #tpu.memory_space<hbm>>)
    %dma_start3A_396 = arith.constant 336 : i32
    %dma_start3A_397 = tpu.memref_slice %arg5[%dma_start3A_396] : memref<512xi32, #tpu.memory_space<vmem>> -> memref<16xi32, #tpu.memory_space<vmem>>
    %dma_start3A_398 = arith.constant 0 : i32
    %dma_start3A_399 = arith.constant 0 : i32
    %dma_start3A_400 = tpu.memref_slice %arg3[%dma_start3A_398, %dma_start3A_399] : memref<8192x1024xf32, #tpu.memory_space<hbm>> -> memref<8192x1024xf32, #tpu.memory_space<hbm>>
    tpu.enqueue_indirect_dma source(%dma_start3A_400 : memref<8192x1024xf32, #tpu.memory_space<hbm>>) target(%arg6 : memref<16x1024xf32, #tpu.memory_space<vmem>>) offsets(%dma_start3A_397 : memref<16xi32, #tpu.memory_space<vmem>>) semaphore(%arg13 : memref<!tpu.dma_semaphore, #tpu.memory_space<semaphore_mem>>)
    %dma_wait3A_401 = arith.constant 288 : i32
    %dma_wait3A_402 = tpu.memref_slice %arg5[%dma_wait3A_401] : memref<512xi32, #tpu.memory_space<vmem>> -> memref<16xi32, #tpu.memory_space<vmem>>
    %dma_wait3A_403 = arith.constant 0 : i32
    %dma_wait3A_404 = arith.constant 0 : i32
    %dma_wait3A_405 = tpu.memref_slice %arg3[%dma_wait3A_403, %dma_wait3A_404] : memref<8192x1024xf32, #tpu.memory_space<hbm>> -> memref<8192x1024xf32, #tpu.memory_space<hbm>>
    tpu.wait_indirect_dma semaphore(%arg17 : memref<!tpu.dma_semaphore, #tpu.memory_space<semaphore_mem>>) src(%dma_wait3A_405 : memref<8192x1024xf32, #tpu.memory_space<hbm>>) dst(%arg10 : memref<16x1024xf32, #tpu.memory_space<vmem>>)
    %add3A_406 = arith.constant 288 : i32
    %add3A_407 = arith.addi %mul3A_2, %add3A_406 : i32
    %dma_start3A_408 = arith.constant 0 : i32
    %dma_start3A_409 = tpu.memref_slice %arg4[%add3A_407, %dma_start3A_408] : memref<16384x1024xf32, #tpu.memory_space<hbm>> -> memref<16x1024xf32, #tpu.memory_space<hbm>>
    %dma_start3A_410 = arith.constant 0 : i32
    %dma_start3A_411 = tpu.memref_slice %arg4[%add3A_407, %dma_start3A_410] : memref<16384x1024xf32, #tpu.memory_space<hbm>> -> memref<16x1024xf32, #tpu.memory_space<hbm>>
    tpu.enqueue_dma source(%arg10 : memref<16x1024xf32, #tpu.memory_space<vmem>>) target(%dma_start3A_411 : memref<16x1024xf32, #tpu.memory_space<hbm>>) target_semaphore(%arg24 : memref<!tpu.dma_semaphore, #tpu.memory_space<semaphore_mem>>)
    %dma_wait3A_412 = arith.constant 0 : i32
    %dma_wait3A_413 = tpu.memref_slice %arg4[%add3A_347, %dma_wait3A_412] : memref<16384x1024xf32, #tpu.memory_space<hbm>> -> memref<16x1024xf32, #tpu.memory_space<hbm>>
    %dma_wait3A_414 = arith.constant 0 : i32
    %dma_wait3A_415 = tpu.memref_slice %arg4[%add3A_347, %dma_wait3A_414] : memref<16384x1024xf32, #tpu.memory_space<hbm>> -> memref<16x1024xf32, #tpu.memory_space<hbm>>
    tpu.wait_dma2 semaphore(%arg21 : memref<!tpu.dma_semaphore, #tpu.memory_space<semaphore_mem>>) src(%arg7 : memref<16x1024xf32, #tpu.memory_space<vmem>>) dst(%dma_wait3A_415 : memref<16x1024xf32, #tpu.memory_space<hbm>>)
    %dma_start3A_416 = arith.constant 352 : i32
    %dma_start3A_417 = tpu.memref_slice %arg5[%dma_start3A_416] : memref<512xi32, #tpu.memory_space<vmem>> -> memref<16xi32, #tpu.memory_space<vmem>>
    %dma_start3A_418 = arith.constant 0 : i32
    %dma_start3A_419 = arith.constant 0 : i32
    %dma_start3A_420 = tpu.memref_slice %arg3[%dma_start3A_418, %dma_start3A_419] : memref<8192x1024xf32, #tpu.memory_space<hbm>> -> memref<8192x1024xf32, #tpu.memory_space<hbm>>
    tpu.enqueue_indirect_dma source(%dma_start3A_420 : memref<8192x1024xf32, #tpu.memory_space<hbm>>) target(%arg7 : memref<16x1024xf32, #tpu.memory_space<vmem>>) offsets(%dma_start3A_417 : memref<16xi32, #tpu.memory_space<vmem>>) semaphore(%arg14 : memref<!tpu.dma_semaphore, #tpu.memory_space<semaphore_mem>>)
    %dma_wait3A_421 = arith.constant 304 : i32
    %dma_wait3A_422 = tpu.memref_slice %arg5[%dma_wait3A_421] : memref<512xi32, #tpu.memory_space<vmem>> -> memref<16xi32, #tpu.memory_space<vmem>>
    %dma_wait3A_423 = arith.constant 0 : i32
    %dma_wait3A_424 = arith.constant 0 : i32
    %dma_wait3A_425 = tpu.memref_slice %arg3[%dma_wait3A_423, %dma_wait3A_424] : memref<8192x1024xf32, #tpu.memory_space<hbm>> -> memref<8192x1024xf32, #tpu.memory_space<hbm>>
    tpu.wait_indirect_dma semaphore(%arg18 : memref<!tpu.dma_semaphore, #tpu.memory_space<semaphore_mem>>) src(%dma_wait3A_425 : memref<8192x1024xf32, #tpu.memory_space<hbm>>) dst(%arg11 : memref<16x1024xf32, #tpu.memory_space<vmem>>)
    %add3A_426 = arith.constant 304 : i32
    %add3A_427 = arith.addi %mul3A_2, %add3A_426 : i32
    %dma_start3A_428 = arith.constant 0 : i32
    %dma_start3A_429 = tpu.memref_slice %arg4[%add3A_427, %dma_start3A_428] : memref<16384x1024xf32, #tpu.memory_space<hbm>> -> memref<16x1024xf32, #tpu.memory_space<hbm>>
    %dma_start3A_430 = arith.constant 0 : i32
    %dma_start3A_431 = tpu.memref_slice %arg4[%add3A_427, %dma_start3A_430] : memref<16384x1024xf32, #tpu.memory_space<hbm>> -> memref<16x1024xf32, #tpu.memory_space<hbm>>
    tpu.enqueue_dma source(%arg11 : memref<16x1024xf32, #tpu.memory_space<vmem>>) target(%dma_start3A_431 : memref<16x1024xf32, #tpu.memory_space<hbm>>) target_semaphore(%arg25 : memref<!tpu.dma_semaphore, #tpu.memory_space<semaphore_mem>>)
    %dma_wait3A_432 = arith.constant 0 : i32
    %dma_wait3A_433 = tpu.memref_slice %arg4[%add3A_367, %dma_wait3A_432] : memref<16384x1024xf32, #tpu.memory_space<hbm>> -> memref<16x1024xf32, #tpu.memory_space<hbm>>
    %dma_wait3A_434 = arith.constant 0 : i32
    %dma_wait3A_435 = tpu.memref_slice %arg4[%add3A_367, %dma_wait3A_434] : memref<16384x1024xf32, #tpu.memory_space<hbm>> -> memref<16x1024xf32, #tpu.memory_space<hbm>>
    tpu.wait_dma2 semaphore(%arg22 : memref<!tpu.dma_semaphore, #tpu.memory_space<semaphore_mem>>) src(%arg8 : memref<16x1024xf32, #tpu.memory_space<vmem>>) dst(%dma_wait3A_435 : memref<16x1024xf32, #tpu.memory_space<hbm>>)
    %dma_start3A_436 = arith.constant 368 : i32
    %dma_start3A_437 = tpu.memref_slice %arg5[%dma_start3A_436] : memref<512xi32, #tpu.memory_space<vmem>> -> memref<16xi32, #tpu.memory_space<vmem>>
    %dma_start3A_438 = arith.constant 0 : i32
    %dma_start3A_439 = arith.constant 0 : i32
    %dma_start3A_440 = tpu.memref_slice %arg3[%dma_start3A_438, %dma_start3A_439] : memref<8192x1024xf32, #tpu.memory_space<hbm>> -> memref<8192x1024xf32, #tpu.memory_space<hbm>>
    tpu.enqueue_indirect_dma source(%dma_start3A_440 : memref<8192x1024xf32, #tpu.memory_space<hbm>>) target(%arg8 : memref<16x1024xf32, #tpu.memory_space<vmem>>) offsets(%dma_start3A_437 : memref<16xi32, #tpu.memory_space<vmem>>) semaphore(%arg15 : memref<!tpu.dma_semaphore, #tpu.memory_space<semaphore_mem>>)
    %dma_wait3A_441 = arith.constant 320 : i32
    %dma_wait3A_442 = tpu.memref_slice %arg5[%dma_wait3A_441] : memref<512xi32, #tpu.memory_space<vmem>> -> memref<16xi32, #tpu.memory_space<vmem>>
    %dma_wait3A_443 = arith.constant 0 : i32
    %dma_wait3A_444 = arith.constant 0 : i32
    %dma_wait3A_445 = tpu.memref_slice %arg3[%dma_wait3A_443, %dma_wait3A_444] : memref<8192x1024xf32, #tpu.memory_space<hbm>> -> memref<8192x1024xf32, #tpu.memory_space<hbm>>
    tpu.wait_indirect_dma semaphore(%arg19 : memref<!tpu.dma_semaphore, #tpu.memory_space<semaphore_mem>>) src(%dma_wait3A_445 : memref<8192x1024xf32, #tpu.memory_space<hbm>>) dst(%arg12 : memref<16x1024xf32, #tpu.memory_space<vmem>>)
    %add3A_446 = arith.constant 320 : i32
    %add3A_447 = arith.addi %mul3A_2, %add3A_446 : i32
    %dma_start3A_448 = arith.constant 0 : i32
    %dma_start3A_449 = tpu.memref_slice %arg4[%add3A_447, %dma_start3A_448] : memref<16384x1024xf32, #tpu.memory_space<hbm>> -> memref<16x1024xf32, #tpu.memory_space<hbm>>
    %dma_start3A_450 = arith.constant 0 : i32
    %dma_start3A_451 = tpu.memref_slice %arg4[%add3A_447, %dma_start3A_450] : memref<16384x1024xf32, #tpu.memory_space<hbm>> -> memref<16x1024xf32, #tpu.memory_space<hbm>>
    tpu.enqueue_dma source(%arg12 : memref<16x1024xf32, #tpu.memory_space<vmem>>) target(%dma_start3A_451 : memref<16x1024xf32, #tpu.memory_space<hbm>>) target_semaphore(%arg26 : memref<!tpu.dma_semaphore, #tpu.memory_space<semaphore_mem>>)
    %dma_wait3A_452 = arith.constant 0 : i32
    %dma_wait3A_453 = tpu.memref_slice %arg4[%add3A_387, %dma_wait3A_452] : memref<16384x1024xf32, #tpu.memory_space<hbm>> -> memref<16x1024xf32, #tpu.memory_space<hbm>>
    %dma_wait3A_454 = arith.constant 0 : i32
    %dma_wait3A_455 = tpu.memref_slice %arg4[%add3A_387, %dma_wait3A_454] : memref<16384x1024xf32, #tpu.memory_space<hbm>> -> memref<16x1024xf32, #tpu.memory_space<hbm>>
    tpu.wait_dma2 semaphore(%arg23 : memref<!tpu.dma_semaphore, #tpu.memory_space<semaphore_mem>>) src(%arg9 : memref<16x1024xf32, #tpu.memory_space<vmem>>) dst(%dma_wait3A_455 : memref<16x1024xf32, #tpu.memory_space<hbm>>)
    %dma_start3A_456 = arith.constant 384 : i32
    %dma_start3A_457 = tpu.memref_slice %arg5[%dma_start3A_456] : memref<512xi32, #tpu.memory_space<vmem>> -> memref<16xi32, #tpu.memory_space<vmem>>
    %dma_start3A_458 = arith.constant 0 : i32
    %dma_start3A_459 = arith.constant 0 : i32
    %dma_start3A_460 = tpu.memref_slice %arg3[%dma_start3A_458, %dma_start3A_459] : memref<8192x1024xf32, #tpu.memory_space<hbm>> -> memref<8192x1024xf32, #tpu.memory_space<hbm>>
    tpu.enqueue_indirect_dma source(%dma_start3A_460 : memref<8192x1024xf32, #tpu.memory_space<hbm>>) target(%arg9 : memref<16x1024xf32, #tpu.memory_space<vmem>>) offsets(%dma_start3A_457 : memref<16xi32, #tpu.memory_space<vmem>>) semaphore(%arg16 : memref<!tpu.dma_semaphore, #tpu.memory_space<semaphore_mem>>)
    %dma_wait3A_461 = arith.constant 336 : i32
    %dma_wait3A_462 = tpu.memref_slice %arg5[%dma_wait3A_461] : memref<512xi32, #tpu.memory_space<vmem>> -> memref<16xi32, #tpu.memory_space<vmem>>
    %dma_wait3A_463 = arith.constant 0 : i32
    %dma_wait3A_464 = arith.constant 0 : i32
    %dma_wait3A_465 = tpu.memref_slice %arg3[%dma_wait3A_463, %dma_wait3A_464] : memref<8192x1024xf32, #tpu.memory_space<hbm>> -> memref<8192x1024xf32, #tpu.memory_space<hbm>>
    tpu.wait_indirect_dma semaphore(%arg13 : memref<!tpu.dma_semaphore, #tpu.memory_space<semaphore_mem>>) src(%dma_wait3A_465 : memref<8192x1024xf32, #tpu.memory_space<hbm>>) dst(%arg6 : memref<16x1024xf32, #tpu.memory_space<vmem>>)
    %add3A_466 = arith.constant 336 : i32
    %add3A_467 = arith.addi %mul3A_2, %add3A_466 : i32
    %dma_start3A_468 = arith.constant 0 : i32
    %dma_start3A_469 = tpu.memref_slice %arg4[%add3A_467, %dma_start3A_468] : memref<16384x1024xf32, #tpu.memory_space<hbm>> -> memref<16x1024xf32, #tpu.memory_space<hbm>>
    %dma_start3A_470 = arith.constant 0 : i32
    %dma_start3A_471 = tpu.memref_slice %arg4[%add3A_467, %dma_start3A_470] : memref<16384x1024xf32, #tpu.memory_space<hbm>> -> memref<16x1024xf32, #tpu.memory_space<hbm>>
    tpu.enqueue_dma source(%arg6 : memref<16x1024xf32, #tpu.memory_space<vmem>>) target(%dma_start3A_471 : memref<16x1024xf32, #tpu.memory_space<hbm>>) target_semaphore(%arg20 : memref<!tpu.dma_semaphore, #tpu.memory_space<semaphore_mem>>)
    %dma_wait3A_472 = arith.constant 0 : i32
    %dma_wait3A_473 = tpu.memref_slice %arg4[%add3A_407, %dma_wait3A_472] : memref<16384x1024xf32, #tpu.memory_space<hbm>> -> memref<16x1024xf32, #tpu.memory_space<hbm>>
    %dma_wait3A_474 = arith.constant 0 : i32
    %dma_wait3A_475 = tpu.memref_slice %arg4[%add3A_407, %dma_wait3A_474] : memref<16384x1024xf32, #tpu.memory_space<hbm>> -> memref<16x1024xf32, #tpu.memory_space<hbm>>
    tpu.wait_dma2 semaphore(%arg24 : memref<!tpu.dma_semaphore, #tpu.memory_space<semaphore_mem>>) src(%arg10 : memref<16x1024xf32, #tpu.memory_space<vmem>>) dst(%dma_wait3A_475 : memref<16x1024xf32, #tpu.memory_space<hbm>>)
    %dma_start3A_476 = arith.constant 400 : i32
    %dma_start3A_477 = tpu.memref_slice %arg5[%dma_start3A_476] : memref<512xi32, #tpu.memory_space<vmem>> -> memref<16xi32, #tpu.memory_space<vmem>>
    %dma_start3A_478 = arith.constant 0 : i32
    %dma_start3A_479 = arith.constant 0 : i32
    %dma_start3A_480 = tpu.memref_slice %arg3[%dma_start3A_478, %dma_start3A_479] : memref<8192x1024xf32, #tpu.memory_space<hbm>> -> memref<8192x1024xf32, #tpu.memory_space<hbm>>
    tpu.enqueue_indirect_dma source(%dma_start3A_480 : memref<8192x1024xf32, #tpu.memory_space<hbm>>) target(%arg10 : memref<16x1024xf32, #tpu.memory_space<vmem>>) offsets(%dma_start3A_477 : memref<16xi32, #tpu.memory_space<vmem>>) semaphore(%arg17 : memref<!tpu.dma_semaphore, #tpu.memory_space<semaphore_mem>>)
    %dma_wait3A_481 = arith.constant 352 : i32
    %dma_wait3A_482 = tpu.memref_slice %arg5[%dma_wait3A_481] : memref<512xi32, #tpu.memory_space<vmem>> -> memref<16xi32, #tpu.memory_space<vmem>>
    %dma_wait3A_483 = arith.constant 0 : i32
    %dma_wait3A_484 = arith.constant 0 : i32
    %dma_wait3A_485 = tpu.memref_slice %arg3[%dma_wait3A_483, %dma_wait3A_484] : memref<8192x1024xf32, #tpu.memory_space<hbm>> -> memref<8192x1024xf32, #tpu.memory_space<hbm>>
    tpu.wait_indirect_dma semaphore(%arg14 : memref<!tpu.dma_semaphore, #tpu.memory_space<semaphore_mem>>) src(%dma_wait3A_485 : memref<8192x1024xf32, #tpu.memory_space<hbm>>) dst(%arg7 : memref<16x1024xf32, #tpu.memory_space<vmem>>)
    %add3A_486 = arith.constant 352 : i32
    %add3A_487 = arith.addi %mul3A_2, %add3A_486 : i32
    %dma_start3A_488 = arith.constant 0 : i32
    %dma_start3A_489 = tpu.memref_slice %arg4[%add3A_487, %dma_start3A_488] : memref<16384x1024xf32, #tpu.memory_space<hbm>> -> memref<16x1024xf32, #tpu.memory_space<hbm>>
    %dma_start3A_490 = arith.constant 0 : i32
    %dma_start3A_491 = tpu.memref_slice %arg4[%add3A_487, %dma_start3A_490] : memref<16384x1024xf32, #tpu.memory_space<hbm>> -> memref<16x1024xf32, #tpu.memory_space<hbm>>
    tpu.enqueue_dma source(%arg7 : memref<16x1024xf32, #tpu.memory_space<vmem>>) target(%dma_start3A_491 : memref<16x1024xf32, #tpu.memory_space<hbm>>) target_semaphore(%arg21 : memref<!tpu.dma_semaphore, #tpu.memory_space<semaphore_mem>>)
    %dma_wait3A_492 = arith.constant 0 : i32
    %dma_wait3A_493 = tpu.memref_slice %arg4[%add3A_427, %dma_wait3A_492] : memref<16384x1024xf32, #tpu.memory_space<hbm>> -> memref<16x1024xf32, #tpu.memory_space<hbm>>
    %dma_wait3A_494 = arith.constant 0 : i32
    %dma_wait3A_495 = tpu.memref_slice %arg4[%add3A_427, %dma_wait3A_494] : memref<16384x1024xf32, #tpu.memory_space<hbm>> -> memref<16x1024xf32, #tpu.memory_space<hbm>>
    tpu.wait_dma2 semaphore(%arg25 : memref<!tpu.dma_semaphore, #tpu.memory_space<semaphore_mem>>) src(%arg11 : memref<16x1024xf32, #tpu.memory_space<vmem>>) dst(%dma_wait3A_495 : memref<16x1024xf32, #tpu.memory_space<hbm>>)
    %dma_start3A_496 = arith.constant 416 : i32
    %dma_start3A_497 = tpu.memref_slice %arg5[%dma_start3A_496] : memref<512xi32, #tpu.memory_space<vmem>> -> memref<16xi32, #tpu.memory_space<vmem>>
    %dma_start3A_498 = arith.constant 0 : i32
    %dma_start3A_499 = arith.constant 0 : i32
    %dma_start3A_500 = tpu.memref_slice %arg3[%dma_start3A_498, %dma_start3A_499] : memref<8192x1024xf32, #tpu.memory_space<hbm>> -> memref<8192x1024xf32, #tpu.memory_space<hbm>>
    tpu.enqueue_indirect_dma source(%dma_start3A_500 : memref<8192x1024xf32, #tpu.memory_space<hbm>>) target(%arg11 : memref<16x1024xf32, #tpu.memory_space<vmem>>) offsets(%dma_start3A_497 : memref<16xi32, #tpu.memory_space<vmem>>) semaphore(%arg18 : memref<!tpu.dma_semaphore, #tpu.memory_space<semaphore_mem>>)
    %dma_wait3A_501 = arith.constant 368 : i32
    %dma_wait3A_502 = tpu.memref_slice %arg5[%dma_wait3A_501] : memref<512xi32, #tpu.memory_space<vmem>> -> memref<16xi32, #tpu.memory_space<vmem>>
    %dma_wait3A_503 = arith.constant 0 : i32
    %dma_wait3A_504 = arith.constant 0 : i32
    %dma_wait3A_505 = tpu.memref_slice %arg3[%dma_wait3A_503, %dma_wait3A_504] : memref<8192x1024xf32, #tpu.memory_space<hbm>> -> memref<8192x1024xf32, #tpu.memory_space<hbm>>
    tpu.wait_indirect_dma semaphore(%arg15 : memref<!tpu.dma_semaphore, #tpu.memory_space<semaphore_mem>>) src(%dma_wait3A_505 : memref<8192x1024xf32, #tpu.memory_space<hbm>>) dst(%arg8 : memref<16x1024xf32, #tpu.memory_space<vmem>>)
    %add3A_506 = arith.constant 368 : i32
    %add3A_507 = arith.addi %mul3A_2, %add3A_506 : i32
    %dma_start3A_508 = arith.constant 0 : i32
    %dma_start3A_509 = tpu.memref_slice %arg4[%add3A_507, %dma_start3A_508] : memref<16384x1024xf32, #tpu.memory_space<hbm>> -> memref<16x1024xf32, #tpu.memory_space<hbm>>
    %dma_start3A_510 = arith.constant 0 : i32
    %dma_start3A_511 = tpu.memref_slice %arg4[%add3A_507, %dma_start3A_510] : memref<16384x1024xf32, #tpu.memory_space<hbm>> -> memref<16x1024xf32, #tpu.memory_space<hbm>>
    tpu.enqueue_dma source(%arg8 : memref<16x1024xf32, #tpu.memory_space<vmem>>) target(%dma_start3A_511 : memref<16x1024xf32, #tpu.memory_space<hbm>>) target_semaphore(%arg22 : memref<!tpu.dma_semaphore, #tpu.memory_space<semaphore_mem>>)
    %dma_wait3A_512 = arith.constant 0 : i32
    %dma_wait3A_513 = tpu.memref_slice %arg4[%add3A_447, %dma_wait3A_512] : memref<16384x1024xf32, #tpu.memory_space<hbm>> -> memref<16x1024xf32, #tpu.memory_space<hbm>>
    %dma_wait3A_514 = arith.constant 0 : i32
    %dma_wait3A_515 = tpu.memref_slice %arg4[%add3A_447, %dma_wait3A_514] : memref<16384x1024xf32, #tpu.memory_space<hbm>> -> memref<16x1024xf32, #tpu.memory_space<hbm>>
    tpu.wait_dma2 semaphore(%arg26 : memref<!tpu.dma_semaphore, #tpu.memory_space<semaphore_mem>>) src(%arg12 : memref<16x1024xf32, #tpu.memory_space<vmem>>) dst(%dma_wait3A_515 : memref<16x1024xf32, #tpu.memory_space<hbm>>)
    %dma_start3A_516 = arith.constant 432 : i32
    %dma_start3A_517 = tpu.memref_slice %arg5[%dma_start3A_516] : memref<512xi32, #tpu.memory_space<vmem>> -> memref<16xi32, #tpu.memory_space<vmem>>
    %dma_start3A_518 = arith.constant 0 : i32
    %dma_start3A_519 = arith.constant 0 : i32
    %dma_start3A_520 = tpu.memref_slice %arg3[%dma_start3A_518, %dma_start3A_519] : memref<8192x1024xf32, #tpu.memory_space<hbm>> -> memref<8192x1024xf32, #tpu.memory_space<hbm>>
    tpu.enqueue_indirect_dma source(%dma_start3A_520 : memref<8192x1024xf32, #tpu.memory_space<hbm>>) target(%arg12 : memref<16x1024xf32, #tpu.memory_space<vmem>>) offsets(%dma_start3A_517 : memref<16xi32, #tpu.memory_space<vmem>>) semaphore(%arg19 : memref<!tpu.dma_semaphore, #tpu.memory_space<semaphore_mem>>)
    %dma_wait3A_521 = arith.constant 384 : i32
    %dma_wait3A_522 = tpu.memref_slice %arg5[%dma_wait3A_521] : memref<512xi32, #tpu.memory_space<vmem>> -> memref<16xi32, #tpu.memory_space<vmem>>
    %dma_wait3A_523 = arith.constant 0 : i32
    %dma_wait3A_524 = arith.constant 0 : i32
    %dma_wait3A_525 = tpu.memref_slice %arg3[%dma_wait3A_523, %dma_wait3A_524] : memref<8192x1024xf32, #tpu.memory_space<hbm>> -> memref<8192x1024xf32, #tpu.memory_space<hbm>>
    tpu.wait_indirect_dma semaphore(%arg16 : memref<!tpu.dma_semaphore, #tpu.memory_space<semaphore_mem>>) src(%dma_wait3A_525 : memref<8192x1024xf32, #tpu.memory_space<hbm>>) dst(%arg9 : memref<16x1024xf32, #tpu.memory_space<vmem>>)
    %add3A_526 = arith.constant 384 : i32
    %add3A_527 = arith.addi %mul3A_2, %add3A_526 : i32
    %dma_start3A_528 = arith.constant 0 : i32
    %dma_start3A_529 = tpu.memref_slice %arg4[%add3A_527, %dma_start3A_528] : memref<16384x1024xf32, #tpu.memory_space<hbm>> -> memref<16x1024xf32, #tpu.memory_space<hbm>>
    %dma_start3A_530 = arith.constant 0 : i32
    %dma_start3A_531 = tpu.memref_slice %arg4[%add3A_527, %dma_start3A_530] : memref<16384x1024xf32, #tpu.memory_space<hbm>> -> memref<16x1024xf32, #tpu.memory_space<hbm>>
    tpu.enqueue_dma source(%arg9 : memref<16x1024xf32, #tpu.memory_space<vmem>>) target(%dma_start3A_531 : memref<16x1024xf32, #tpu.memory_space<hbm>>) target_semaphore(%arg23 : memref<!tpu.dma_semaphore, #tpu.memory_space<semaphore_mem>>)
    %dma_wait3A_532 = arith.constant 0 : i32
    %dma_wait3A_533 = tpu.memref_slice %arg4[%add3A_467, %dma_wait3A_532] : memref<16384x1024xf32, #tpu.memory_space<hbm>> -> memref<16x1024xf32, #tpu.memory_space<hbm>>
    %dma_wait3A_534 = arith.constant 0 : i32
    %dma_wait3A_535 = tpu.memref_slice %arg4[%add3A_467, %dma_wait3A_534] : memref<16384x1024xf32, #tpu.memory_space<hbm>> -> memref<16x1024xf32, #tpu.memory_space<hbm>>
    tpu.wait_dma2 semaphore(%arg20 : memref<!tpu.dma_semaphore, #tpu.memory_space<semaphore_mem>>) src(%arg6 : memref<16x1024xf32, #tpu.memory_space<vmem>>) dst(%dma_wait3A_535 : memref<16x1024xf32, #tpu.memory_space<hbm>>)
    %dma_start3A_536 = arith.constant 448 : i32
    %dma_start3A_537 = tpu.memref_slice %arg5[%dma_start3A_536] : memref<512xi32, #tpu.memory_space<vmem>> -> memref<16xi32, #tpu.memory_space<vmem>>
    %dma_start3A_538 = arith.constant 0 : i32
    %dma_start3A_539 = arith.constant 0 : i32
    %dma_start3A_540 = tpu.memref_slice %arg3[%dma_start3A_538, %dma_start3A_539] : memref<8192x1024xf32, #tpu.memory_space<hbm>> -> memref<8192x1024xf32, #tpu.memory_space<hbm>>
    tpu.enqueue_indirect_dma source(%dma_start3A_540 : memref<8192x1024xf32, #tpu.memory_space<hbm>>) target(%arg6 : memref<16x1024xf32, #tpu.memory_space<vmem>>) offsets(%dma_start3A_537 : memref<16xi32, #tpu.memory_space<vmem>>) semaphore(%arg13 : memref<!tpu.dma_semaphore, #tpu.memory_space<semaphore_mem>>)
    %dma_wait3A_541 = arith.constant 400 : i32
    %dma_wait3A_542 = tpu.memref_slice %arg5[%dma_wait3A_541] : memref<512xi32, #tpu.memory_space<vmem>> -> memref<16xi32, #tpu.memory_space<vmem>>
    %dma_wait3A_543 = arith.constant 0 : i32
    %dma_wait3A_544 = arith.constant 0 : i32
    %dma_wait3A_545 = tpu.memref_slice %arg3[%dma_wait3A_543, %dma_wait3A_544] : memref<8192x1024xf32, #tpu.memory_space<hbm>> -> memref<8192x1024xf32, #tpu.memory_space<hbm>>
    tpu.wait_indirect_dma semaphore(%arg17 : memref<!tpu.dma_semaphore, #tpu.memory_space<semaphore_mem>>) src(%dma_wait3A_545 : memref<8192x1024xf32, #tpu.memory_space<hbm>>) dst(%arg10 : memref<16x1024xf32, #tpu.memory_space<vmem>>)
    %add3A_546 = arith.constant 400 : i32
    %add3A_547 = arith.addi %mul3A_2, %add3A_546 : i32
    %dma_start3A_548 = arith.constant 0 : i32
    %dma_start3A_549 = tpu.memref_slice %arg4[%add3A_547, %dma_start3A_548] : memref<16384x1024xf32, #tpu.memory_space<hbm>> -> memref<16x1024xf32, #tpu.memory_space<hbm>>
    %dma_start3A_550 = arith.constant 0 : i32
    %dma_start3A_551 = tpu.memref_slice %arg4[%add3A_547, %dma_start3A_550] : memref<16384x1024xf32, #tpu.memory_space<hbm>> -> memref<16x1024xf32, #tpu.memory_space<hbm>>
    tpu.enqueue_dma source(%arg10 : memref<16x1024xf32, #tpu.memory_space<vmem>>) target(%dma_start3A_551 : memref<16x1024xf32, #tpu.memory_space<hbm>>) target_semaphore(%arg24 : memref<!tpu.dma_semaphore, #tpu.memory_space<semaphore_mem>>)
    %dma_wait3A_552 = arith.constant 0 : i32
    %dma_wait3A_553 = tpu.memref_slice %arg4[%add3A_487, %dma_wait3A_552] : memref<16384x1024xf32, #tpu.memory_space<hbm>> -> memref<16x1024xf32, #tpu.memory_space<hbm>>
    %dma_wait3A_554 = arith.constant 0 : i32
    %dma_wait3A_555 = tpu.memref_slice %arg4[%add3A_487, %dma_wait3A_554] : memref<16384x1024xf32, #tpu.memory_space<hbm>> -> memref<16x1024xf32, #tpu.memory_space<hbm>>
    tpu.wait_dma2 semaphore(%arg21 : memref<!tpu.dma_semaphore, #tpu.memory_space<semaphore_mem>>) src(%arg7 : memref<16x1024xf32, #tpu.memory_space<vmem>>) dst(%dma_wait3A_555 : memref<16x1024xf32, #tpu.memory_space<hbm>>)
    %dma_start3A_556 = arith.constant 464 : i32
    %dma_start3A_557 = tpu.memref_slice %arg5[%dma_start3A_556] : memref<512xi32, #tpu.memory_space<vmem>> -> memref<16xi32, #tpu.memory_space<vmem>>
    %dma_start3A_558 = arith.constant 0 : i32
    %dma_start3A_559 = arith.constant 0 : i32
    %dma_start3A_560 = tpu.memref_slice %arg3[%dma_start3A_558, %dma_start3A_559] : memref<8192x1024xf32, #tpu.memory_space<hbm>> -> memref<8192x1024xf32, #tpu.memory_space<hbm>>
    tpu.enqueue_indirect_dma source(%dma_start3A_560 : memref<8192x1024xf32, #tpu.memory_space<hbm>>) target(%arg7 : memref<16x1024xf32, #tpu.memory_space<vmem>>) offsets(%dma_start3A_557 : memref<16xi32, #tpu.memory_space<vmem>>) semaphore(%arg14 : memref<!tpu.dma_semaphore, #tpu.memory_space<semaphore_mem>>)
    %dma_wait3A_561 = arith.constant 416 : i32
    %dma_wait3A_562 = tpu.memref_slice %arg5[%dma_wait3A_561] : memref<512xi32, #tpu.memory_space<vmem>> -> memref<16xi32, #tpu.memory_space<vmem>>
    %dma_wait3A_563 = arith.constant 0 : i32
    %dma_wait3A_564 = arith.constant 0 : i32
    %dma_wait3A_565 = tpu.memref_slice %arg3[%dma_wait3A_563, %dma_wait3A_564] : memref<8192x1024xf32, #tpu.memory_space<hbm>> -> memref<8192x1024xf32, #tpu.memory_space<hbm>>
    tpu.wait_indirect_dma semaphore(%arg18 : memref<!tpu.dma_semaphore, #tpu.memory_space<semaphore_mem>>) src(%dma_wait3A_565 : memref<8192x1024xf32, #tpu.memory_space<hbm>>) dst(%arg11 : memref<16x1024xf32, #tpu.memory_space<vmem>>)
    %add3A_566 = arith.constant 416 : i32
    %add3A_567 = arith.addi %mul3A_2, %add3A_566 : i32
    %dma_start3A_568 = arith.constant 0 : i32
    %dma_start3A_569 = tpu.memref_slice %arg4[%add3A_567, %dma_start3A_568] : memref<16384x1024xf32, #tpu.memory_space<hbm>> -> memref<16x1024xf32, #tpu.memory_space<hbm>>
    %dma_start3A_570 = arith.constant 0 : i32
    %dma_start3A_571 = tpu.memref_slice %arg4[%add3A_567, %dma_start3A_570] : memref<16384x1024xf32, #tpu.memory_space<hbm>> -> memref<16x1024xf32, #tpu.memory_space<hbm>>
    tpu.enqueue_dma source(%arg11 : memref<16x1024xf32, #tpu.memory_space<vmem>>) target(%dma_start3A_571 : memref<16x1024xf32, #tpu.memory_space<hbm>>) target_semaphore(%arg25 : memref<!tpu.dma_semaphore, #tpu.memory_space<semaphore_mem>>)
    %dma_wait3A_572 = arith.constant 0 : i32
    %dma_wait3A_573 = tpu.memref_slice %arg4[%add3A_507, %dma_wait3A_572] : memref<16384x1024xf32, #tpu.memory_space<hbm>> -> memref<16x1024xf32, #tpu.memory_space<hbm>>
    %dma_wait3A_574 = arith.constant 0 : i32
    %dma_wait3A_575 = tpu.memref_slice %arg4[%add3A_507, %dma_wait3A_574] : memref<16384x1024xf32, #tpu.memory_space<hbm>> -> memref<16x1024xf32, #tpu.memory_space<hbm>>
    tpu.wait_dma2 semaphore(%arg22 : memref<!tpu.dma_semaphore, #tpu.memory_space<semaphore_mem>>) src(%arg8 : memref<16x1024xf32, #tpu.memory_space<vmem>>) dst(%dma_wait3A_575 : memref<16x1024xf32, #tpu.memory_space<hbm>>)
    %dma_start3A_576 = arith.constant 480 : i32
    %dma_start3A_577 = tpu.memref_slice %arg5[%dma_start3A_576] : memref<512xi32, #tpu.memory_space<vmem>> -> memref<16xi32, #tpu.memory_space<vmem>>
    %dma_start3A_578 = arith.constant 0 : i32
    %dma_start3A_579 = arith.constant 0 : i32
    %dma_start3A_580 = tpu.memref_slice %arg3[%dma_start3A_578, %dma_start3A_579] : memref<8192x1024xf32, #tpu.memory_space<hbm>> -> memref<8192x1024xf32, #tpu.memory_space<hbm>>
    tpu.enqueue_indirect_dma source(%dma_start3A_580 : memref<8192x1024xf32, #tpu.memory_space<hbm>>) target(%arg8 : memref<16x1024xf32, #tpu.memory_space<vmem>>) offsets(%dma_start3A_577 : memref<16xi32, #tpu.memory_space<vmem>>) semaphore(%arg15 : memref<!tpu.dma_semaphore, #tpu.memory_space<semaphore_mem>>)
    %dma_wait3A_581 = arith.constant 432 : i32
    %dma_wait3A_582 = tpu.memref_slice %arg5[%dma_wait3A_581] : memref<512xi32, #tpu.memory_space<vmem>> -> memref<16xi32, #tpu.memory_space<vmem>>
    %dma_wait3A_583 = arith.constant 0 : i32
    %dma_wait3A_584 = arith.constant 0 : i32
    %dma_wait3A_585 = tpu.memref_slice %arg3[%dma_wait3A_583, %dma_wait3A_584] : memref<8192x1024xf32, #tpu.memory_space<hbm>> -> memref<8192x1024xf32, #tpu.memory_space<hbm>>
    tpu.wait_indirect_dma semaphore(%arg19 : memref<!tpu.dma_semaphore, #tpu.memory_space<semaphore_mem>>) src(%dma_wait3A_585 : memref<8192x1024xf32, #tpu.memory_space<hbm>>) dst(%arg12 : memref<16x1024xf32, #tpu.memory_space<vmem>>)
    %add3A_586 = arith.constant 432 : i32
    %add3A_587 = arith.addi %mul3A_2, %add3A_586 : i32
    %dma_start3A_588 = arith.constant 0 : i32
    %dma_start3A_589 = tpu.memref_slice %arg4[%add3A_587, %dma_start3A_588] : memref<16384x1024xf32, #tpu.memory_space<hbm>> -> memref<16x1024xf32, #tpu.memory_space<hbm>>
    %dma_start3A_590 = arith.constant 0 : i32
    %dma_start3A_591 = tpu.memref_slice %arg4[%add3A_587, %dma_start3A_590] : memref<16384x1024xf32, #tpu.memory_space<hbm>> -> memref<16x1024xf32, #tpu.memory_space<hbm>>
    tpu.enqueue_dma source(%arg12 : memref<16x1024xf32, #tpu.memory_space<vmem>>) target(%dma_start3A_591 : memref<16x1024xf32, #tpu.memory_space<hbm>>) target_semaphore(%arg26 : memref<!tpu.dma_semaphore, #tpu.memory_space<semaphore_mem>>)
    %dma_wait3A_592 = arith.constant 0 : i32
    %dma_wait3A_593 = tpu.memref_slice %arg4[%add3A_527, %dma_wait3A_592] : memref<16384x1024xf32, #tpu.memory_space<hbm>> -> memref<16x1024xf32, #tpu.memory_space<hbm>>
    %dma_wait3A_594 = arith.constant 0 : i32
    %dma_wait3A_595 = tpu.memref_slice %arg4[%add3A_527, %dma_wait3A_594] : memref<16384x1024xf32, #tpu.memory_space<hbm>> -> memref<16x1024xf32, #tpu.memory_space<hbm>>
    tpu.wait_dma2 semaphore(%arg23 : memref<!tpu.dma_semaphore, #tpu.memory_space<semaphore_mem>>) src(%arg9 : memref<16x1024xf32, #tpu.memory_space<vmem>>) dst(%dma_wait3A_595 : memref<16x1024xf32, #tpu.memory_space<hbm>>)
    %dma_start3A_596 = arith.constant 496 : i32
    %dma_start3A_597 = tpu.memref_slice %arg5[%dma_start3A_596] : memref<512xi32, #tpu.memory_space<vmem>> -> memref<16xi32, #tpu.memory_space<vmem>>
    %dma_start3A_598 = arith.constant 0 : i32
    %dma_start3A_599 = arith.constant 0 : i32
    %dma_start3A_600 = tpu.memref_slice %arg3[%dma_start3A_598, %dma_start3A_599] : memref<8192x1024xf32, #tpu.memory_space<hbm>> -> memref<8192x1024xf32, #tpu.memory_space<hbm>>
    tpu.enqueue_indirect_dma source(%dma_start3A_600 : memref<8192x1024xf32, #tpu.memory_space<hbm>>) target(%arg9 : memref<16x1024xf32, #tpu.memory_space<vmem>>) offsets(%dma_start3A_597 : memref<16xi32, #tpu.memory_space<vmem>>) semaphore(%arg16 : memref<!tpu.dma_semaphore, #tpu.memory_space<semaphore_mem>>)
    %dma_wait3A_601 = arith.constant 448 : i32
    %dma_wait3A_602 = tpu.memref_slice %arg5[%dma_wait3A_601] : memref<512xi32, #tpu.memory_space<vmem>> -> memref<16xi32, #tpu.memory_space<vmem>>
    %dma_wait3A_603 = arith.constant 0 : i32
    %dma_wait3A_604 = arith.constant 0 : i32
    %dma_wait3A_605 = tpu.memref_slice %arg3[%dma_wait3A_603, %dma_wait3A_604] : memref<8192x1024xf32, #tpu.memory_space<hbm>> -> memref<8192x1024xf32, #tpu.memory_space<hbm>>
    tpu.wait_indirect_dma semaphore(%arg13 : memref<!tpu.dma_semaphore, #tpu.memory_space<semaphore_mem>>) src(%dma_wait3A_605 : memref<8192x1024xf32, #tpu.memory_space<hbm>>) dst(%arg6 : memref<16x1024xf32, #tpu.memory_space<vmem>>)
    %add3A_606 = arith.constant 448 : i32
    %add3A_607 = arith.addi %mul3A_2, %add3A_606 : i32
    %dma_start3A_608 = arith.constant 0 : i32
    %dma_start3A_609 = tpu.memref_slice %arg4[%add3A_607, %dma_start3A_608] : memref<16384x1024xf32, #tpu.memory_space<hbm>> -> memref<16x1024xf32, #tpu.memory_space<hbm>>
    %dma_start3A_610 = arith.constant 0 : i32
    %dma_start3A_611 = tpu.memref_slice %arg4[%add3A_607, %dma_start3A_610] : memref<16384x1024xf32, #tpu.memory_space<hbm>> -> memref<16x1024xf32, #tpu.memory_space<hbm>>
    tpu.enqueue_dma source(%arg6 : memref<16x1024xf32, #tpu.memory_space<vmem>>) target(%dma_start3A_611 : memref<16x1024xf32, #tpu.memory_space<hbm>>) target_semaphore(%arg20 : memref<!tpu.dma_semaphore, #tpu.memory_space<semaphore_mem>>)
    %dma_wait3A_612 = arith.constant 464 : i32
    %dma_wait3A_613 = tpu.memref_slice %arg5[%dma_wait3A_612] : memref<512xi32, #tpu.memory_space<vmem>> -> memref<16xi32, #tpu.memory_space<vmem>>
    %dma_wait3A_614 = arith.constant 0 : i32
    %dma_wait3A_615 = arith.constant 0 : i32
    %dma_wait3A_616 = tpu.memref_slice %arg3[%dma_wait3A_614, %dma_wait3A_615] : memref<8192x1024xf32, #tpu.memory_space<hbm>> -> memref<8192x1024xf32, #tpu.memory_space<hbm>>
    tpu.wait_indirect_dma semaphore(%arg14 : memref<!tpu.dma_semaphore, #tpu.memory_space<semaphore_mem>>) src(%dma_wait3A_616 : memref<8192x1024xf32, #tpu.memory_space<hbm>>) dst(%arg7 : memref<16x1024xf32, #tpu.memory_space<vmem>>)
    %add3A_617 = arith.constant 464 : i32
    %add3A_618 = arith.addi %mul3A_2, %add3A_617 : i32
    %dma_start3A_619 = arith.constant 0 : i32
    %dma_start3A_620 = tpu.memref_slice %arg4[%add3A_618, %dma_start3A_619] : memref<16384x1024xf32, #tpu.memory_space<hbm>> -> memref<16x1024xf32, #tpu.memory_space<hbm>>
    %dma_start3A_621 = arith.constant 0 : i32
    %dma_start3A_622 = tpu.memref_slice %arg4[%add3A_618, %dma_start3A_621] : memref<16384x1024xf32, #tpu.memory_space<hbm>> -> memref<16x1024xf32, #tpu.memory_space<hbm>>
    tpu.enqueue_dma source(%arg7 : memref<16x1024xf32, #tpu.memory_space<vmem>>) target(%dma_start3A_622 : memref<16x1024xf32, #tpu.memory_space<hbm>>) target_semaphore(%arg21 : memref<!tpu.dma_semaphore, #tpu.memory_space<semaphore_mem>>)
    %dma_wait3A_623 = arith.constant 480 : i32
    %dma_wait3A_624 = tpu.memref_slice %arg5[%dma_wait3A_623] : memref<512xi32, #tpu.memory_space<vmem>> -> memref<16xi32, #tpu.memory_space<vmem>>
    %dma_wait3A_625 = arith.constant 0 : i32
    %dma_wait3A_626 = arith.constant 0 : i32
    %dma_wait3A_627 = tpu.memref_slice %arg3[%dma_wait3A_625, %dma_wait3A_626] : memref<8192x1024xf32, #tpu.memory_space<hbm>> -> memref<8192x1024xf32, #tpu.memory_space<hbm>>
    tpu.wait_indirect_dma semaphore(%arg15 : memref<!tpu.dma_semaphore, #tpu.memory_space<semaphore_mem>>) src(%dma_wait3A_627 : memref<8192x1024xf32, #tpu.memory_space<hbm>>) dst(%arg8 : memref<16x1024xf32, #tpu.memory_space<vmem>>)
    %add3A_628 = arith.constant 480 : i32
    %add3A_629 = arith.addi %mul3A_2, %add3A_628 : i32
    %dma_start3A_630 = arith.constant 0 : i32
    %dma_start3A_631 = tpu.memref_slice %arg4[%add3A_629, %dma_start3A_630] : memref<16384x1024xf32, #tpu.memory_space<hbm>> -> memref<16x1024xf32, #tpu.memory_space<hbm>>
    %dma_start3A_632 = arith.constant 0 : i32
    %dma_start3A_633 = tpu.memref_slice %arg4[%add3A_629, %dma_start3A_632] : memref<16384x1024xf32, #tpu.memory_space<hbm>> -> memref<16x1024xf32, #tpu.memory_space<hbm>>
    tpu.enqueue_dma source(%arg8 : memref<16x1024xf32, #tpu.memory_space<vmem>>) target(%dma_start3A_633 : memref<16x1024xf32, #tpu.memory_space<hbm>>) target_semaphore(%arg22 : memref<!tpu.dma_semaphore, #tpu.memory_space<semaphore_mem>>)
    %dma_wait3A_634 = arith.constant 496 : i32
    %dma_wait3A_635 = tpu.memref_slice %arg5[%dma_wait3A_634] : memref<512xi32, #tpu.memory_space<vmem>> -> memref<16xi32, #tpu.memory_space<vmem>>
    %dma_wait3A_636 = arith.constant 0 : i32
    %dma_wait3A_637 = arith.constant 0 : i32
    %dma_wait3A_638 = tpu.memref_slice %arg3[%dma_wait3A_636, %dma_wait3A_637] : memref<8192x1024xf32, #tpu.memory_space<hbm>> -> memref<8192x1024xf32, #tpu.memory_space<hbm>>
    tpu.wait_indirect_dma semaphore(%arg16 : memref<!tpu.dma_semaphore, #tpu.memory_space<semaphore_mem>>) src(%dma_wait3A_638 : memref<8192x1024xf32, #tpu.memory_space<hbm>>) dst(%arg9 : memref<16x1024xf32, #tpu.memory_space<vmem>>)
    %add3A_639 = arith.constant 496 : i32
    %add3A_640 = arith.addi %mul3A_2, %add3A_639 : i32
    %dma_start3A_641 = arith.constant 0 : i32
    %dma_start3A_642 = tpu.memref_slice %arg4[%add3A_640, %dma_start3A_641] : memref<16384x1024xf32, #tpu.memory_space<hbm>> -> memref<16x1024xf32, #tpu.memory_space<hbm>>
    %dma_start3A_643 = arith.constant 0 : i32
    %dma_start3A_644 = tpu.memref_slice %arg4[%add3A_640, %dma_start3A_643] : memref<16384x1024xf32, #tpu.memory_space<hbm>> -> memref<16x1024xf32, #tpu.memory_space<hbm>>
    tpu.enqueue_dma source(%arg9 : memref<16x1024xf32, #tpu.memory_space<vmem>>) target(%dma_start3A_644 : memref<16x1024xf32, #tpu.memory_space<hbm>>) target_semaphore(%arg23 : memref<!tpu.dma_semaphore, #tpu.memory_space<semaphore_mem>>)
    %dma_wait3A_645 = arith.constant 0 : i32
    %dma_wait3A_646 = tpu.memref_slice %arg4[%add3A_607, %dma_wait3A_645] : memref<16384x1024xf32, #tpu.memory_space<hbm>> -> memref<16x1024xf32, #tpu.memory_space<hbm>>
    %dma_wait3A_647 = arith.constant 0 : i32
    %dma_wait3A_648 = tpu.memref_slice %arg4[%add3A_607, %dma_wait3A_647] : memref<16384x1024xf32, #tpu.memory_space<hbm>> -> memref<16x1024xf32, #tpu.memory_space<hbm>>
    tpu.wait_dma2 semaphore(%arg20 : memref<!tpu.dma_semaphore, #tpu.memory_space<semaphore_mem>>) src(%arg6 : memref<16x1024xf32, #tpu.memory_space<vmem>>) dst(%dma_wait3A_648 : memref<16x1024xf32, #tpu.memory_space<hbm>>)
    %dma_wait3A_649 = arith.constant 0 : i32
    %dma_wait3A_650 = tpu.memref_slice %arg4[%add3A_618, %dma_wait3A_649] : memref<16384x1024xf32, #tpu.memory_space<hbm>> -> memref<16x1024xf32, #tpu.memory_space<hbm>>
    %dma_wait3A_651 = arith.constant 0 : i32
    %dma_wait3A_652 = tpu.memref_slice %arg4[%add3A_618, %dma_wait3A_651] : memref<16384x1024xf32, #tpu.memory_space<hbm>> -> memref<16x1024xf32, #tpu.memory_space<hbm>>
    tpu.wait_dma2 semaphore(%arg21 : memref<!tpu.dma_semaphore, #tpu.memory_space<semaphore_mem>>) src(%arg7 : memref<16x1024xf32, #tpu.memory_space<vmem>>) dst(%dma_wait3A_652 : memref<16x1024xf32, #tpu.memory_space<hbm>>)
    %dma_wait3A_653 = arith.constant 0 : i32
    %dma_wait3A_654 = tpu.memref_slice %arg4[%add3A_629, %dma_wait3A_653] : memref<16384x1024xf32, #tpu.memory_space<hbm>> -> memref<16x1024xf32, #tpu.memory_space<hbm>>
    %dma_wait3A_655 = arith.constant 0 : i32
    %dma_wait3A_656 = tpu.memref_slice %arg4[%add3A_629, %dma_wait3A_655] : memref<16384x1024xf32, #tpu.memory_space<hbm>> -> memref<16x1024xf32, #tpu.memory_space<hbm>>
    tpu.wait_dma2 semaphore(%arg22 : memref<!tpu.dma_semaphore, #tpu.memory_space<semaphore_mem>>) src(%arg8 : memref<16x1024xf32, #tpu.memory_space<vmem>>) dst(%dma_wait3A_656 : memref<16x1024xf32, #tpu.memory_space<hbm>>)
    %dma_wait3A_657 = arith.constant 0 : i32
    %dma_wait3A_658 = tpu.memref_slice %arg4[%add3A_640, %dma_wait3A_657] : memref<16384x1024xf32, #tpu.memory_space<hbm>> -> memref<16x1024xf32, #tpu.memory_space<hbm>>
    %dma_wait3A_659 = arith.constant 0 : i32
    %dma_wait3A_660 = tpu.memref_slice %arg4[%add3A_640, %dma_wait3A_659] : memref<16384x1024xf32, #tpu.memory_space<hbm>> -> memref<16x1024xf32, #tpu.memory_space<hbm>>
    tpu.wait_dma2 semaphore(%arg23 : memref<!tpu.dma_semaphore, #tpu.memory_space<semaphore_mem>>) src(%arg9 : memref<16x1024xf32, #tpu.memory_space<vmem>>) dst(%dma_wait3A_660 : memref<16x1024xf32, #tpu.memory_space<hbm>>)
    %dma_wait3A_661 = arith.constant 0 : i32
    %dma_wait3A_662 = tpu.memref_slice %arg4[%add3A_547, %dma_wait3A_661] : memref<16384x1024xf32, #tpu.memory_space<hbm>> -> memref<16x1024xf32, #tpu.memory_space<hbm>>
    %dma_wait3A_663 = arith.constant 0 : i32
    %dma_wait3A_664 = tpu.memref_slice %arg4[%add3A_547, %dma_wait3A_663] : memref<16384x1024xf32, #tpu.memory_space<hbm>> -> memref<16x1024xf32, #tpu.memory_space<hbm>>
    tpu.wait_dma2 semaphore(%arg24 : memref<!tpu.dma_semaphore, #tpu.memory_space<semaphore_mem>>) src(%arg10 : memref<16x1024xf32, #tpu.memory_space<vmem>>) dst(%dma_wait3A_664 : memref<16x1024xf32, #tpu.memory_space<hbm>>)
    %dma_wait3A_665 = arith.constant 0 : i32
    %dma_wait3A_666 = tpu.memref_slice %arg4[%add3A_567, %dma_wait3A_665] : memref<16384x1024xf32, #tpu.memory_space<hbm>> -> memref<16x1024xf32, #tpu.memory_space<hbm>>
    %dma_wait3A_667 = arith.constant 0 : i32
    %dma_wait3A_668 = tpu.memref_slice %arg4[%add3A_567, %dma_wait3A_667] : memref<16384x1024xf32, #tpu.memory_space<hbm>> -> memref<16x1024xf32, #tpu.memory_space<hbm>>
    tpu.wait_dma2 semaphore(%arg25 : memref<!tpu.dma_semaphore, #tpu.memory_space<semaphore_mem>>) src(%arg11 : memref<16x1024xf32, #tpu.memory_space<vmem>>) dst(%dma_wait3A_668 : memref<16x1024xf32, #tpu.memory_space<hbm>>)
    %dma_wait3A_669 = arith.constant 0 : i32
    %dma_wait3A_670 = tpu.memref_slice %arg4[%add3A_587, %dma_wait3A_669] : memref<16384x1024xf32, #tpu.memory_space<hbm>> -> memref<16x1024xf32, #tpu.memory_space<hbm>>
    %dma_wait3A_671 = arith.constant 0 : i32
    %dma_wait3A_672 = tpu.memref_slice %arg4[%add3A_587, %dma_wait3A_671] : memref<16384x1024xf32, #tpu.memory_space<hbm>> -> memref<16x1024xf32, #tpu.memory_space<hbm>>
    tpu.wait_dma2 semaphore(%arg26 : memref<!tpu.dma_semaphore, #tpu.memory_space<semaphore_mem>>) src(%arg12 : memref<16x1024xf32, #tpu.memory_space<vmem>>) dst(%dma_wait3A_672 : memref<16x1024xf32, #tpu.memory_space<hbm>>)
    return
  }
}

</mosaic_0001>

<sc_bundles>
// kernel: _sc_gather.3.cloned.1.call-start
scs
__scs_entry_jumppad:
0x0: {  	(pc) =	sbr.rel $0x88, $3  }
0x1: {  	(tag) =	ssettag $0x0;
	lr =	simm.s32 $0x1  }
0x2: {  	[smem:$0x3F9F] =	sst lr;
	_ =	strace $0xD0000000  }
0x3: {  	_ = 	snop  }
0x4: {  	_ = 	snop  }
0x5: {  	_ = 	snop  }
0x6: {  	_ = 	snop  }
0x7: {  	_ = 	snop  }
__scs_overlays_trampoline_lowered:
0x8: {  	[smem:$0x3FAE] =	sst s0  }
0x9: {  	[smem:$0x3FAF] =	sst s1  }
0xa: {  	[smem:$0x3FB0] =	sst s2  }
0xb: {  	[smem:$0x3FB1] =	sst s3  }
0xc: {  	[smem:$0x3FB2] =	sst s4  }
0xd: {  	[smem:$0x3FB3] =	sst s5  }
0xe: {  	[smem:$0x3FB4] =	sst s6  }
0xf: {  	[smem:$0x3FB5] =	sst s7  }
0x10: {  	[smem:$0x3FB6] =	sst s8  }
0x11: {  	[smem:$0x3FB7] =	sst s9;
	s0 =	simm.s32 @!p0 $0x0  }
0x12: {  	s1 =	sld [smem:$0x3F9D];
	s0 =	simm.s32 @p0 $0x1  }
0x13: {  	[smem:$0x3FB8] =	sst s0;
	s0 =	simm.s32 @!p1 $0x0  }
0x14: {  	s2 =	sld [smem:$0x3F9C];
	s0 =	simm.s32 @p1 $0x1  }
0x15: {  	[smem:$0x3FB9] =	sst s0;
	s0 =	simm.s32 @!p2 $0x0  }
0x16: {  	s3 =	sld [smem:$0x3FDB];
	s0 =	simm.s32 @p2 $0x1  }
0x17: {  	s4 =	simm.s32 $0x1BF5;
	[smem:$0x3FBB] =	sst s0  }
0x18: {  	s0 =	sld [smem:$0x3F9E];
	_ =	swait.ge [sflag:s4], $0x0  }
0x19: {  	s7 =	sld [smem:$0x3F9F]  }
0x1a: {  	s8 =	sadd.s32 $0xFFFFE003, lr  }
0x1b: {  	s9 =	sadd.s32 $0xFFFFFEF7, lr;
	s5 =	simm.s32 $0xFFFFFFFF;
	p2 =	slt.u32 s8, $0xFFFFF086  }
0x1c: {  	p1 =	slt.u32 s9, $0xF7A;
	s5 =	simm.s32 @!p2 $0x0  }
0x1d: {  	s5 =	simm.s32 @p1 $0x1;
	p0 =	seq.s32 s7, s2  }
0x1e: {  	s7 =	smul.u32 @!p0 $0xF7A, s2;
	p2 =	seq.s32 @!p0 s5, $0x0  }
0x1f: {  	s9 =	smul.u32 $0xF7A, s1;
	s8 =	simm.s32 @!p0 $0x1BF5;
	p2 =	por !p2, p0  }
0x20: {  	[sflag:s8] =	ssyncset.s32 @!p0 $0xFFFFF086;
	s6 =	sadd.s32 @!p0 s3, s7;
	s7 =	simm.s32 @!p0 $0x108  }
0x21: {  	s3 =	sadd.s32 s3, s9;
	s6 =	sadd.s32 @!p0 $0x88, s6;
	s7 =	simm.s32 @p2 $0x1082  }
0x22: {  	[simem:s7], [sflag:s8] =	dma.local @!p0 [hbm:s6], $0xF7A  }
0x23: {  	s9 =	sor.u32 $0xD0000000, s2;
	s6 =	simm.s32 $0x108;
	_ =	swait.ge @!p0 [sflag:s8], $0x0  }
0x24: {  	s3 =	sadd.s32 $0x88, s3;
	s6 =	simm.s32 @!p1 $0x1082;
	[sflag:s4] =	ssyncset.s32 $0xFFFFF086  }
0x25: {  	[simem:s6], [sflag:s4] =	dma.local [hbm:s3], $0xF7A  }
0x26: {  	[smem:$0x3F9F] =	sst s1;
	(tag) =	ssettag s2;
	_ =	strace s9  }
0x27: {  	s1 =	sld [smem:$0x3FAF]  }
0x28: {  	s2 =	sld [smem:$0x3FB0]  }
0x29: {  	s4 =	sld [smem:$0x3FB2]  }
0x2a: {  	p0 =	seq.s32 s5, $0x0;
	s5 =	sld [smem:$0x3FB3]  }
0x2b: {  	s6 =	sld [smem:$0x3FB4]  }
0x2c: {  	s7 =	sld [smem:$0x3FB5]  }
0x2d: {  	s3 =	simm.s32 $0x108;
	s8 =	sld [smem:$0x3FB6]  }
0x2e: {  	s3 =	simm.s32 @!p0 $0x1082;
	s9 =	sld [smem:$0x3FB7]  }
0x2f: {  	lr =	sadd.s32 s0, s3;
	s0 =	sld [smem:$0x3FAE]  }
0x30: {  	s3 =	sld [smem:$0x3FB1]  }
0x31: {  	[smem:$0x3FBA] =	sst s10  }
0x32: {  	s10 =	sld [smem:$0x3FB8];
	_ =	sdelay $0x3  }
0x33: {  	p0 =	seq.s32 s10, $0x1;
	s10 =	sld [smem:$0x3FBA];
	_ =	sdelay $0x3  }
0x34: {  	[smem:$0x3FBA] =	sst s10  }
0x35: {  	s10 =	sld [smem:$0x3FB9];
	_ =	sdelay $0x3  }
0x36: {  	p1 =	seq.s32 s10, $0x1;
	s10 =	sld [smem:$0x3FBA];
	_ =	sdelay $0x3  }
0x37: {  	[smem:$0x3FBA] =	sst s10  }
0x38: {  	s10 =	sld [smem:$0x3FBB]  }
0x39: {  	_ = 	snop;
	(pc) =	sbr.ind lr, $3  }
0x3a: {  	_ = 	snop  }
0x3b: {  	_ = 	snop  }
0x3c: {  	p2 =	seq.s32 s10, $0x1;
	s10 =	sld [smem:$0x3FBA]  }
0x3d: {  	_ =	shalt  }
0x3e: {  	_ =	shalt  }
0x3f: {  	_ =	shalt  }
0x40: {  	_ =	shalt  }
0x41: {  	_ =	shalt  }
0x42: {  	_ =	shalt  }
0x43: {  	_ =	shalt  }
0x44: {  	_ =	shalt  }
0x45: {  	_ =	shalt  }
0x46: {  	_ =	shalt  }
0x47: {  	_ =	shalt  }
0x48: {  	_ =	shalt  }
0x49: {  	_ =	shalt  }
0x4a: {  	_ =	shalt  }
0x4b: {  	_ =	shalt  }
0x4c: {  	_ =	shalt  }
0x4d: {  	_ =	shalt  }
0x4e: {  	_ =	shalt  }
0x4f: {  	_ =	shalt  }
0x50: {  	_ =	shalt  }
0x51: {  	_ =	shalt  }
0x52: {  	_ =	shalt  }
0x53: {  	_ =	shalt  }
0x54: {  	_ =	shalt  }
0x55: {  	_ =	shalt  }
0x56: {  	_ =	shalt  }
0x57: {  	_ =	shalt  }
0x58: {  	_ =	shalt  }
0x59: {  	_ =	shalt  }
0x5a: {  	_ =	shalt  }
0x5b: {  	_ =	shalt  }
0x5c: {  	_ =	shalt  }
0x5d: {  	_ =	shalt  }
0x5e: {  	_ =	shalt  }
0x5f: {  	_ =	shalt  }
0x60: {  	_ =	shalt  }
0x61: {  	_ =	shalt  }
0x62: {  	_ =	shalt  }
0x63: {  	_ =	shalt  }
0x64: {  	_ =	shalt  }
0x65: {  	_ =	shalt  }
0x66: {  	_ =	shalt  }
0x67: {  	_ =	shalt  }
0x68: {  	_ =	shalt  }
0x69: {  	_ =	shalt  }
0x6a: {  	_ =	shalt  }
0x6b: {  	_ =	shalt  }
0x6c: {  	_ =	shalt  }
0x6d: {  	_ =	shalt  }
0x6e: {  	_ =	shalt  }
0x6f: {  	_ =	shalt  }
0x70: {  	_ =	shalt  }
0x71: {  	_ =	shalt  }
0x72: {  	_ =	shalt  }
0x73: {  	_ =	shalt  }
0x74: {  	_ =	shalt  }
0x75: {  	_ =	shalt  }
0x76: {  	_ =	shalt  }
0x77: {  	_ =	shalt  }
0x78: {  	_ =	shalt  }
0x79: {  	_ =	shalt  }
0x7a: {  	_ =	shalt  }
0x7b: {  	_ =	shalt  }
0x7c: {  	_ =	shalt  }
0x7d: {  	_ =	shalt  }
0x7e: {  	_ =	shalt  }
0x7f: {  	_ =	shalt  }
0x80: {  	_ =	shalt  }
0x81: {  	_ =	shalt  }
0x82: {  	_ =	shalt  }
0x83: {  	_ =	shalt  }
0x84: {  	_ =	shalt  }
0x85: {  	_ =	shalt  }
0x86: {  	_ =	shalt  }
0x87: {  	_ =	shalt  }
.Lfunc_end0:
.L_simem_size_0:
called_computation_lowered:
.L_overlay_start_0:
0x88: {  	s2 =	sld [smem:$0x3FD9]  }
0x89: {  	s3 =	sld [smem:$0x3FFE];
	_ =	sdelay $0x1  }
0x8a: {  	s1 =	srdreg.scid  }
0x8b: {  	s0 =	sand.u32 $0x1, s1  }
0x8c: {  	s18 =	sshll.u32 s0, $0xA;
	s2 =	sadd.s32 s3, s2  }
0x8d: {  	s2 =	sadd.s32 s2, s18  }
0x8e: {  	[smem:$0x3FC6] =	sst s2  }
0x8f: {  	_ = 	snop  }
0x90: {  	s2 =	sld [smem:$0x3FC9]  }
0x91: {  	s19 =	sld [smem:$0x3FC8]  }
0x92: {  	s4 =	sld [smem:$0x3FD0];
	(tm) =	ssettm $0x1  }
0x93: {  	s5 =	sld [smem:$0x3FFB];
	_ =	sdelay $0x3  }
0x94: {  	_ =	strace s5  }
0x95: {  	s5 =	sld [smem:$0x3FFC];
	_ =	sdelay $0x3  }
0x96: {  	_ =	strace s5  }
0x97: {  	s5 =	sld [smem:$0x3FFD];
	_ =	sdelay $0x3  }
0x98: {  	_ =	strace s5  }
0x99: {  	_ =	strace $0x8FFFFFFF  }
0x9a: {  	s20 =	sld [smem:$0x3FDB];
	_ =	sdelay $0x1  }
0x9b: {  	s6 =	simm.s32 $_scs_section_size  }
0x9c: {  	s7 =	simm.s32 $_size__tile_overlayer_lowered;
	s8 =	simm.s32 $_tile_overlayer_lowered  }
0x9d: {  	s23 =	simm.s32 $0x1BFF;
	s22 =	sshll.u32 s8, $0x1;
	s5 =	sadd.s32 s6, s20  }
0x9e: {  	s9 =	simm.s32 $0x0;
	s21 =	sshll.u32 s7, $0x1;
	s7 =	sadd.s32 s22, s5  }
0x9f: {  	[timem:s9], [sflag:s23] =	dma.local [hbm:s7], s21  }
0xa0: {  	_ =	swait.ge [sflag:s23], s21  }
0xa1: {  	s6 =	ssub.s32 $0x0, s21;
	[sflag:s23] =	ssyncset.done $0x0  }
0xa2: {  	[sflag:s23] =	ssyncadd.s32 s6;
	_ =	sdelay $0x1  }
0xa3: {  	s24 =	simm.s32 $0x1B8B  }
0xa4: {  	_ =	swait.ge [sflag:s24], $0x1  }
0xa5: {  	[sflag:s24] =	ssyncset.done $0x0  }
0xa6: {  	s25 =	simm.s32 $0x1B8E;
	[sflag:s24] =	ssyncadd.s32 $0xFFFFFFFF  }
0xa7: {  	s26 =	simm.s32 $execute0_lowered;
	[smem:$0x3FD2] =	sst s25  }
0xa8: {  	s6 =	sshll.u32 s26, $0x1;
	_ =	strace $0x80000046;
	[dreg:$0x1] =	wrdreg $0xFFFFFFFF  }
0xa9: {  	s28 =	simm.s32 $_size_execute0_lowered;
	s5 =	sadd.s32 s5, s6;
	[dreg:$0x0] =	wrdreg $0x0  }
0xaa: {  	s6 =	sshll.u32 s28, $0x1;
	[dreg:$0x2] =	wrdreg s5  }
0xab: {  	[dreg:$0x3] =	wrdreg s6  }
0xac: {  	[dreg:$0x4] =	wrdreg $0xC0  }
0xad: {  	_ =	task [dreg:s9], $0x5FFFF  }
0xae: {  	[dreg:$0x1] =	wrdreg $0xFFFFFFFF  }
0xaf: {  	[dreg:$0x0] =	wrdreg $0x60  }
0xb0: {  	[dreg:$0x2] =	wrdreg s2  }
0xb1: {  	[dreg:$0x3] =	wrdreg s19  }
0xb2: {  	[dreg:$0x4] =	wrdreg s4  }
0xb3: {  	[dreg:$0x5] =	wrdreg $0x9  }
0xb4: {  	_ =	task.clear_ibuf [dreg:s9], $0x6FFFF;
	_ =	strace $0x90000046  }
0xb5: {  	s29 =	simm.s32 $0x9;
	_ =	strace $0x80000048  }
0xb6: {  	_ =	swait.ge [sflag:s29], $0x1  }
0xb7: {  	[sflag:s29] =	ssyncadd.s32 $0xFFFFFFFF  }
0xb8: {  	_ =	strace $0x90000048  }
0xb9: {  	_ =	sfence  }
0xba: {  	s30 =	sld [smem:$0x0];
	_ =	sdelay $0x2  }
0xbb: {  	s31 =	sshll.u32 s1, $0xD;
	s1 =	sshrl.u32 s1, $0x2  }
0xbc: {  	s3 =	sand.u32 $0x4000, s31;
	s1 =	sadd.s32 s1, s30  }
0xbd: {  	s0 =	sor.u32 s3, s0;
	s1 =	sshll.u32 s1, $0x11  }
0xbe: {  	s0 =	sor.u32 s1, s0  }
0xbf: {  	s0 =	sadd.s32 $0x8F2B, s0  }
0xc0: {  	[sflag:s0] =	ssyncadd.remote.s32 $0x1  }
0xc1: {  	_ =	sfence.sel $0xFFFF  }
0xc2: {  	[dreg:$0x0] =	wrdreg $0xFFFFFFFF;
	(pc) =	sbr.abs _section_cstart, $3  }
0xc3: {  	[dreg:$0x1] =	wrdreg $0xFFFFFFFF  }
0xc4: {  	_ =	task.clear_ibuf [dreg:s9], $0x2FFFF;
	_ =	strace $0x9FFFFFFF  }
0xc5: {  	(tm) =	ssettm $0x7FFFFFFF  }
tec
execute0_lowered:
.L_overlay_start_1:
0x0: {  	(tag) =	ssettag $0x1  }
0x1: {  	s1 =	rddreg [dreg:$0x0]  }
0x2: {  	s2 =	rddreg [dreg:$0x1]  }
0x3: {  	s4 =	rddreg [dreg:$0x2]  }
0x4: {  	s0 =	srdreg.scid;
	s6 =	stileid.u32  }
0x5: {  	s3 =	simm.s32 $0x0;
	s0 =	sand.u32 $0x1, s0;
	s5 =	sshll.u32 s6, $0x1  }
0x6: {  	s6 =	sshll.u32 s6, $0x2;
	[smem:$0x7FF] =	sst s3;
	s5 =	sor.u32 s0, s5  }
0x7: {  	s6 =	sand.u32 $0x30, s6;
	s7 =	sshll.u32 s5, $0x8;
	s5 =	sshll.u32 s5, $0x10  }
0x8: {  	s1 =	sadd.s32 s1, s6;
	s7 =	sand.u32 $0x700, s7;
	s8 =	sadd.s32 s4, s5  }
0x9: {  	_ =	strace $0x80000047;
	s1 =	sadd.s32 s7, s1;
	[smem:$0x7FB] =	sst s8  }
0xa: {  	s18 =	sadd.s32 $0x800, s8;
	[dreg:$0x4] =	wrdreg s1  }
0xb: {  	s19 =	sadd.s32 $0x1000, s8;
	[dreg:$0x5] =	wrdreg s18  }
0xc: {  	s20 =	sadd.s32 $0x1800, s8;
	[dreg:$0x6] =	wrdreg s19  }
0xd: {  	s21 =	sadd.s32 $0x2000, s8;
	[dreg:$0x7] =	wrdreg s20  }
0xe: {  	s22 =	sadd.s32 $0x2800, s8;
	[dreg:$0x8] =	wrdreg s21  }
0xf: {  	s23 =	sadd.s32 $0x3000, s8;
	[dreg:$0x9] =	wrdreg s22  }
0x10: {  	s24 =	sadd.s32 $0x3800, s8;
	[dreg:$0xa] =	wrdreg s23  }
0x11: {  	s25 =	sadd.s32 $0x4000, s8;
	[dreg:$0xb] =	wrdreg s24  }
0x12: {  	s26 =	sadd.s32 $0x4800, s8;
	[dreg:$0xc] =	wrdreg s25  }
0x13: {  	s31 =	sadd.s32 $0x5000, s8;
	[dreg:$0xd] =	wrdreg s26  }
0x14: {  	s4 =	sadd.s32 $0x5800, s8;
	[dreg:$0xe] =	wrdreg s31  }
0x15: {  	s5 =	sadd.s32 $0x6000, s8;
	[dreg:$0xf] =	wrdreg s4  }
0x16: {  	s6 =	sadd.s32 $0x6800, s8;
	[dreg:$0x10] =	wrdreg s5  }
0x17: {  	s7 =	sadd.s32 $0x7000, s8;
	[dreg:$0x11] =	wrdreg s6  }
0x18: {  	s9 =	sadd.s32 $0x7800, s8;
	[dreg:$0x12] =	wrdreg s7  }
0x19: {  	s10 =	sadd.s32 $0x8000, s8;
	[dreg:$0x13] =	wrdreg s9  }
0x1a: {  	s11 =	sadd.s32 $0x8800, s8;
	[dreg:$0x14] =	wrdreg s10  }
0x1b: {  	s12 =	sadd.s32 $0x9000, s8;
	[dreg:$0x15] =	wrdreg s11  }
0x1c: {  	s13 =	sadd.s32 $0x9800, s8;
	[dreg:$0x16] =	wrdreg s12  }
0x1d: {  	s14 =	sadd.s32 $0xA000, s8;
	[dreg:$0x17] =	wrdreg s13  }
0x1e: {  	s15 =	sadd.s32 $0xA800, s8;
	[dreg:$0x18] =	wrdreg s14  }
0x1f: {  	s16 =	sadd.s32 $0xB000, s8;
	[dreg:$0x19] =	wrdreg s15  }
0x20: {  	s17 =	sadd.s32 $0xB800, s8;
	[dreg:$0x1a] =	wrdreg s16  }
0x21: {  	[dreg:$0x1b] =	wrdreg s17;
	s18 =	sadd.s32 $0xC000, s8  }
0x22: {  	s28 =	simm.s32 $0x8;
	s19 =	sadd.s32 $0xC800, s8;
	[dreg:$0x1c] =	wrdreg s18  }
0x23: {  	s30 =	simm.s32 $0x9;
	s20 =	sadd.s32 $0xD000, s8;
	[dreg:$0x1d] =	wrdreg s19  }
0x24: {  	s29 =	simm.s32 $0x200;
	s22 =	sadd.s32 $0xD800, s8;
	[dreg:$0x1e] =	wrdreg s20  }
0x25: {  	s0 =	ssub.s32 $0x2, s0;
	s23 =	sadd.s32 $0xE000, s8;
	[dreg:$0x1f] =	wrdreg s22  }
0x26: {  	s21 =	sshrl.u32 s0, $0x1;
	s24 =	sadd.s32 $0xE800, s8;
	[smem:$0x7F8] =	sst s23  }
0x27: {  	s5 =	sadd.s32 $0x100, s2;
	s25 =	sadd.s32 $0xF000, s8;
	[smem:$0x7F9] =	sst s24  }
0x28: {  	s6 =	sadd.s32 $0x200, s2;
	s26 =	sadd.s32 $0xF800, s8;
	[smem:$0x7FA] =	sst s25  }
0x29: {  	s7 =	sadd.s32 $0x300, s2;
	s31 =	simm.s32 $0x80;
	[smem:$0x7FC] =	sst s26  }
0x2a: {  	v2 =	vlaneseq.u32;
	s10 =	simm.s32 $0xB;
	s0 =	ssub.s32 s0, s21;
	[smem:$0x7FD] =	sst s31  }
0x2b: {  	vm0 =	vmmov $0xffff;
	v1 =	vshrl.u32 v2, $0x3;
	s19 =	simm.s32 $0x1;
	s21 =	simm.s32 $0x2;
	s23 =	simm.s32 $0x3  }
0x2c: {  	v0 =	vand.u32 $0x7, v2;
	v2 =	vor.u32 $0x8, v2;
	v1 =	vmul.u32 $0x8, v1;
	s25 =	simm.s32 $0x4;
	s17 =	smax.u32 s0, $0x1;
	s0 =	simm.s32 $0xA  }
.LBB2_1:
0x2d: {  	s15 =	sld [smem:$0x7FD];
	_ =	sdelay $0x1  }
0x2e: {  	s14 =	rddreg [dreg:$0x4];
	s18 =	simm.s32 $0xF  }
0x2f: {  	[tilespmem:s3], [sflag:$0xF] =	stream.strided.gather [hbm4b:s14+s15], $0x200, s29, s15, $0x38;
	[tilespmem:$0x1C200] =	vst v63  }
0x30: {  	_ =	swait.ge [sflag:s18], $0x200  }
0x31: {  	[sflag:s18] =	ssyncset.done $0x0  }
0x32: {  	[sflag:s18] =	ssyncadd.s32 $0xFFFFFE00  }
0x33: {  	v3 =	vld [tilespmem:$0x0];
	_ =	sdelay $0x4  }
0x34: {  	v4 =	vshll.u32 v3, $0x3  }
0x35: {  	v3 =	vand.u32 $0x7, v3;
	v4 =	vand.u32 $0xFFFFFFC0, v4  }
0x36: {  	v3 =	vor.u32 v3, v4  }
0x37: {  	v4 =	vperm.xlane v3, v0;
	_ =	sdelay $0x1  }
0x38: {  	v4 =	vadd.s32 v1, v4;
	_ =	sdelay $0x4  }
0x39: {  	[tilespmem:s29], [sflag:$0x1] =	stream.indirect_vreg.gather [hbm4b:s2+s3], $0x80, v4, vm0, $0xb8;
	[tilespmem:$0x1C200] =	vst v63  }
0x3a: {  	s4 =	simm.s32 $0xA00;
	v3 =	vperm.xlane v3, v2  }
0x3b: {  	[tilespmem:s4], [sflag:$0x1] =	stream.indirect_vreg.gather [hbm4b:s5+s3], $0x80, v4, vm0, $0xb8;
	[tilespmem:$0x1C200] =	vst v63  }
0x3c: {  	s20 =	simm.s32 $0x1200;
	v3 =	vadd.s32 v1, v3  }
0x3d: {  	[tilespmem:s20], [sflag:$0x1] =	stream.indirect_vreg.gather [hbm4b:s6+s3], $0x80, v4, vm0, $0xb8;
	[tilespmem:$0x1C200] =	vst v63  }
0x3e: {  	s22 =	simm.s32 $0x1A00  }
0x3f: {  	[tilespmem:s22], [sflag:$0x1] =	stream.indirect_vreg.gather [hbm4b:s7+s3], $0x80, v4, vm0, $0xb8;
	[tilespmem:$0x1C200] =	vst v63  }
0x40: {  	s24 =	simm.s32 $0x2200  }
0x41: {  	[tilespmem:s24], [sflag:$0x1] =	stream.indirect_vreg.gather [hbm4b:s2+s3], $0x80, v3, vm0, $0xb8;
	[tilespmem:$0x1C200] =	vst v63  }
0x42: {  	s26 =	simm.s32 $0x2A00  }
0x43: {  	[tilespmem:s26], [sflag:$0x1] =	stream.indirect_vreg.gather [hbm4b:s5+s3], $0x80, v3, vm0, $0xb8;
	[tilespmem:$0x1C200] =	vst v63  }
0x44: {  	s31 =	simm.s32 $0x3200  }
0x45: {  	[tilespmem:s31], [sflag:$0x1] =	stream.indirect_vreg.gather [hbm4b:s6+s3], $0x80, v3, vm0, $0xb8;
	[tilespmem:$0x1C200] =	vst v63  }
0x46: {  	s8 =	simm.s32 $0x3A00  }
0x47: {  	[tilespmem:s8], [sflag:$0x1] =	stream.indirect_vreg.gather [hbm4b:s7+s3], $0x80, v3, vm0, $0xb8;
	[tilespmem:$0x1C200] =	vst v63  }
0x48: {  	v3 =	vld [tilespmem:$0x10];
	_ =	sdelay $0x4  }
0x49: {  	v33 =	vshll.u32 v3, $0x3  }
0x4a: {  	v3 =	vand.u32 $0x7, v3;
	v4 =	vand.u32 $0xFFFFFFC0, v33  }
0x4b: {  	v3 =	vor.u32 v3, v4  }
0x4c: {  	v4 =	vperm.xlane v3, v0;
	_ =	sdelay $0x1  }
0x4d: {  	v4 =	vadd.s32 v1, v4;
	_ =	sdelay $0x3  }
0x4e: {  	s9 =	simm.s32 $0x4200  }
0x4f: {  	[tilespmem:s9], [sflag:$0x2] =	stream.indirect_vreg.gather [hbm4b:s2+s3], $0x80, v4, vm0, $0xb8;
	[tilespmem:$0x1C200] =	vst v63  }
0x50: {  	s11 =	simm.s32 $0x4A00;
	v3 =	vperm.xlane v3, v2  }
0x51: {  	[tilespmem:s11], [sflag:$0x2] =	stream.indirect_vreg.gather [hbm4b:s5+s3], $0x80, v4, vm0, $0xb8;
	[tilespmem:$0x1C200] =	vst v63  }
0x52: {  	s12 =	simm.s32 $0x5200;
	v3 =	vadd.s32 v1, v3  }
0x53: {  	[tilespmem:s12], [sflag:$0x2] =	stream.indirect_vreg.gather [hbm4b:s6+s3], $0x80, v4, vm0, $0xb8;
	[tilespmem:$0x1C200] =	vst v63  }
0x54: {  	s13 =	simm.s32 $0x5A00  }
0x55: {  	[tilespmem:s13], [sflag:$0x2] =	stream.indirect_vreg.gather [hbm4b:s7+s3], $0x80, v4, vm0, $0xb8;
	[tilespmem:$0x1C200] =	vst v63  }
0x56: {  	s15 =	simm.s32 $0x6200  }
0x57: {  	[tilespmem:s15], [sflag:$0x2] =	stream.indirect_vreg.gather [hbm4b:s2+s3], $0x80, v3, vm0, $0xb8;
	[tilespmem:$0x1C200] =	vst v63  }
0x58: {  	s16 =	simm.s32 $0x6A00  }
0x59: {  	[tilespmem:s16], [sflag:$0x2] =	stream.indirect_vreg.gather [hbm4b:s5+s3], $0x80, v3, vm0, $0xb8;
	[tilespmem:$0x1C200] =	vst v63  }
0x5a: {  	s18 =	simm.s32 $0x7200  }
0x5b: {  	[tilespmem:s18], [sflag:$0x2] =	stream.indirect_vreg.gather [hbm4b:s6+s3], $0x80, v3, vm0, $0xb8;
	[tilespmem:$0x1C200] =	vst v63  }
0x5c: {  	s20 =	simm.s32 $0x7A00  }
0x5d: {  	[tilespmem:s20], [sflag:$0x2] =	stream.indirect_vreg.gather [hbm4b:s7+s3], $0x80, v3, vm0, $0xb8;
	[tilespmem:$0x1C200] =	vst v63  }
0x5e: {  	v3 =	vld [tilespmem:$0x20];
	_ =	sdelay $0x4  }
0x5f: {  	v34 =	vshll.u32 v3, $0x3  }
0x60: {  	v3 =	vand.u32 $0x7, v3;
	v4 =	vand.u32 $0xFFFFFFC0, v34  }
0x61: {  	v3 =	vor.u32 v3, v4  }
0x62: {  	v4 =	vperm.xlane v3, v0;
	_ =	sdelay $0x1  }
0x63: {  	v4 =	vadd.s32 v1, v4;
	_ =	sdelay $0x3  }
0x64: {  	s22 =	simm.s32 $0x8200  }
0x65: {  	[tilespmem:s22], [sflag:$0x3] =	stream.indirect_vreg.gather [hbm4b:s2+s3], $0x80, v4, vm0, $0xb8;
	[tilespmem:$0x1C200] =	vst v63  }
0x66: {  	s24 =	simm.s32 $0x8A00;
	v3 =	vperm.xlane v3, v2  }
0x67: {  	[tilespmem:s24], [sflag:$0x3] =	stream.indirect_vreg.gather [hbm4b:s5+s3], $0x80, v4, vm0, $0xb8;
	[tilespmem:$0x1C200] =	vst v63  }
0x68: {  	s26 =	simm.s32 $0x9200;
	v3 =	vadd.s32 v1, v3  }
0x69: {  	[tilespmem:s26], [sflag:$0x3] =	stream.indirect_vreg.gather [hbm4b:s6+s3], $0x80, v4, vm0, $0xb8;
	[tilespmem:$0x1C200] =	vst v63  }
0x6a: {  	s9 =	simm.s32 $0x9A00  }
0x6b: {  	[tilespmem:s9], [sflag:$0x3] =	stream.indirect_vreg.gather [hbm4b:s7+s3], $0x80, v4, vm0, $0xb8;
	[tilespmem:$0x1C200] =	vst v63  }
0x6c: {  	s11 =	simm.s32 $0xA200  }
0x6d: {  	[tilespmem:s11], [sflag:$0x3] =	stream.indirect_vreg.gather [hbm4b:s2+s3], $0x80, v3, vm0, $0xb8;
	[tilespmem:$0x1C200] =	vst v63  }
0x6e: {  	s12 =	simm.s32 $0xAA00  }
0x6f: {  	[tilespmem:s12], [sflag:$0x3] =	stream.indirect_vreg.gather [hbm4b:s5+s3], $0x80, v3, vm0, $0xb8;
	[tilespmem:$0x1C200] =	vst v63  }
0x70: {  	s13 =	simm.s32 $0xB200  }
0x71: {  	[tilespmem:s13], [sflag:$0x3] =	stream.indirect_vreg.gather [hbm4b:s6+s3], $0x80, v3, vm0, $0xb8;
	[tilespmem:$0x1C200] =	vst v63  }
0x72: {  	s16 =	simm.s32 $0xBA00  }
0x73: {  	[tilespmem:s16], [sflag:$0x3] =	stream.indirect_vreg.gather [hbm4b:s7+s3], $0x80, v3, vm0, $0xb8;
	[tilespmem:$0x1C200] =	vst v63  }
0x74: {  	v3 =	vld [tilespmem:$0x30];
	_ =	sdelay $0x4  }
0x75: {  	v35 =	vshll.u32 v3, $0x3  }
0x76: {  	v3 =	vand.u32 $0x7, v3;
	v4 =	vand.u32 $0xFFFFFFC0, v35  }
0x77: {  	v3 =	vor.u32 v3, v4  }
0x78: {  	v4 =	vperm.xlane v3, v0;
	_ =	sdelay $0x1  }
0x79: {  	v4 =	vadd.s32 v1, v4;
	_ =	sdelay $0x3  }
0x7a: {  	s11 =	simm.s32 $0xC200  }
0x7b: {  	[tilespmem:s11], [sflag:$0x4] =	stream.indirect_vreg.gather [hbm4b:s2+s3], $0x80, v4, vm0, $0xb8;
	[tilespmem:$0x1C200] =	vst v63  }
0x7c: {  	s18 =	simm.s32 $0xCA00;
	v3 =	vperm.xlane v3, v2  }
0x7d: {  	[tilespmem:s18], [sflag:$0x4] =	stream.indirect_vreg.gather [hbm4b:s5+s3], $0x80, v4, vm0, $0xb8;
	[tilespmem:$0x1C200] =	vst v63  }
0x7e: {  	s20 =	simm.s32 $0xD200;
	v3 =	vadd.s32 v1, v3  }
0x7f: {  	[tilespmem:s20], [sflag:$0x4] =	stream.indirect_vreg.gather [hbm4b:s6+s3], $0x80, v4, vm0, $0xb8;
	[tilespmem:$0x1C200] =	vst v63  }
0x80: {  	s22 =	simm.s32 $0xDA00  }
0x81: {  	[tilespmem:s22], [sflag:$0x4] =	stream.indirect_vreg.gather [hbm4b:s7+s3], $0x80, v4, vm0, $0xb8;
	[tilespmem:$0x1C200] =	vst v63  }
0x82: {  	s24 =	simm.s32 $0xE200  }
0x83: {  	[tilespmem:s24], [sflag:$0x4] =	stream.indirect_vreg.gather [hbm4b:s2+s3], $0x80, v3, vm0, $0xb8;
	[tilespmem:$0x1C200] =	vst v63  }
0x84: {  	s26 =	simm.s32 $0xEA00  }
0x85: {  	[tilespmem:s26], [sflag:$0x4] =	stream.indirect_vreg.gather [hbm4b:s5+s3], $0x80, v3, vm0, $0xb8;
	[tilespmem:$0x1C200] =	vst v63  }
0x86: {  	s9 =	simm.s32 $0xF200  }
0x87: {  	[tilespmem:s9], [sflag:$0x4] =	stream.indirect_vreg.gather [hbm4b:s6+s3], $0x80, v3, vm0, $0xb8;
	[tilespmem:$0x1C200] =	vst v63  }
0x88: {  	s11 =	simm.s32 $0xFA00  }
0x89: {  	[tilespmem:s11], [sflag:$0x4] =	stream.indirect_vreg.gather [hbm4b:s7+s3], $0x80, v3, vm0, $0xb8;
	[tilespmem:$0x1C200] =	vst v63  }
0x8a: {  	_ =	swait.ge [sflag:s19], $0x4000  }
0x8b: {  	s13 =	sld [smem:$0x7FB]  }
0x8c: {  	[sflag:s19] =	ssyncset.done $0x0  }
0x8d: {  	[sflag:s19] =	ssyncadd.s32 $0xFFFFC000  }
0x8e: {  	[hbm4b:s13+s3] =	stream.linear.scatter [tilespmem:s29], [sflag:$0x8], $0x4000, $0x38;
	[tilespmem:$0x1C200] =	vst v63  }
0x8f: {  	v3 =	vld [tilespmem:$0x40];
	_ =	sdelay $0x4  }
0x90: {  	v36 =	vshll.u32 v3, $0x3  }
0x91: {  	v3 =	vand.u32 $0x7, v3;
	v4 =	vand.u32 $0xFFFFFFC0, v36  }
0x92: {  	v3 =	vor.u32 v3, v4  }
0x93: {  	v4 =	vperm.xlane v3, v0;
	_ =	sdelay $0x1  }
0x94: {  	v4 =	vadd.s32 v1, v4;
	_ =	sdelay $0x3  }
0x95: {  	s14 =	simm.s32 $0x10200  }
0x96: {  	[tilespmem:s14], [sflag:$0x5] =	stream.indirect_vreg.gather [hbm4b:s2+s3], $0x80, v4, vm0, $0xb8;
	[tilespmem:$0x1C200] =	vst v63  }
0x97: {  	s9 =	simm.s32 $0x10A00;
	v3 =	vperm.xlane v3, v2  }
0x98: {  	[tilespmem:s9], [sflag:$0x5] =	stream.indirect_vreg.gather [hbm4b:s5+s3], $0x80, v4, vm0, $0xb8;
	[tilespmem:$0x1C200] =	vst v63  }
0x99: {  	s22 =	simm.s32 $0x11200;
	v3 =	vadd.s32 v1, v3  }
0x9a: {  	[tilespmem:s22], [sflag:$0x5] =	stream.indirect_vreg.gather [hbm4b:s6+s3], $0x80, v4, vm0, $0xb8;
	[tilespmem:$0x1C200] =	vst v63  }
0x9b: {  	s26 =	simm.s32 $0x11A00  }
0x9c: {  	[tilespmem:s26], [sflag:$0x5] =	stream.indirect_vreg.gather [hbm4b:s7+s3], $0x80, v4, vm0, $0xb8;
	[tilespmem:$0x1C200] =	vst v63  }
0x9d: {  	s11 =	simm.s32 $0x12200  }
0x9e: {  	[tilespmem:s11], [sflag:$0x5] =	stream.indirect_vreg.gather [hbm4b:s2+s3], $0x80, v3, vm0, $0xb8;
	[tilespmem:$0x1C200] =	vst v63  }
0x9f: {  	s14 =	simm.s32 $0x12A00  }
0xa0: {  	[tilespmem:s14], [sflag:$0x5] =	stream.indirect_vreg.gather [hbm4b:s5+s3], $0x80, v3, vm0, $0xb8;
	[tilespmem:$0x1C200] =	vst v63  }
0xa1: {  	s22 =	simm.s32 $0x13200  }
0xa2: {  	[tilespmem:s22], [sflag:$0x5] =	stream.indirect_vreg.gather [hbm4b:s6+s3], $0x80, v3, vm0, $0xb8;
	[tilespmem:$0x1C200] =	vst v63  }
0xa3: {  	s26 =	simm.s32 $0x13A00  }
0xa4: {  	[tilespmem:s26], [sflag:$0x5] =	stream.indirect_vreg.gather [hbm4b:s7+s3], $0x80, v3, vm0, $0xb8;
	[tilespmem:$0x1C200] =	vst v63  }
0xa5: {  	_ =	swait.ge [sflag:s21], $0x4000  }
0xa6: {  	[sflag:s21] =	ssyncset.done $0x0  }
0xa7: {  	s8 =	simm.s32 $0x4200;
	s11 =	rddreg [dreg:$0x5];
	[sflag:s21] =	ssyncadd.s32 $0xFFFFC000  }
0xa8: {  	[hbm4b:s11+s3] =	stream.linear.scatter [tilespmem:s8], [sflag:$0x9], $0x4000, $0x38;
	[tilespmem:$0x1C200] =	vst v63  }
0xa9: {  	v3 =	vld [tilespmem:$0x50];
	_ =	sdelay $0x4  }
0xaa: {  	v37 =	vshll.u32 v3, $0x3  }
0xab: {  	v3 =	vand.u32 $0x7, v3;
	v4 =	vand.u32 $0xFFFFFFC0, v37  }
0xac: {  	v3 =	vor.u32 v3, v4  }
0xad: {  	v4 =	vperm.xlane v3, v0;
	_ =	sdelay $0x1  }
0xae: {  	v4 =	vadd.s32 v1, v4;
	_ =	sdelay $0x3  }
0xaf: {  	s22 =	simm.s32 $0x14200  }
0xb0: {  	[tilespmem:s22], [sflag:$0x6] =	stream.indirect_vreg.gather [hbm4b:s2+s3], $0x80, v4, vm0, $0xb8;
	[tilespmem:$0x1C200] =	vst v63  }
0xb1: {  	s26 =	simm.s32 $0x14A00;
	v3 =	vperm.xlane v3, v2  }
0xb2: {  	[tilespmem:s26], [sflag:$0x6] =	stream.indirect_vreg.gather [hbm4b:s5+s3], $0x80, v4, vm0, $0xb8;
	[tilespmem:$0x1C200] =	vst v63  }
0xb3: {  	s14 =	simm.s32 $0x15200;
	v3 =	vadd.s32 v1, v3  }
0xb4: {  	[tilespmem:s14], [sflag:$0x6] =	stream.indirect_vreg.gather [hbm4b:s6+s3], $0x80, v4, vm0, $0xb8;
	[tilespmem:$0x1C200] =	vst v63  }
0xb5: {  	s22 =	simm.s32 $0x15A00  }
0xb6: {  	[tilespmem:s22], [sflag:$0x6] =	stream.indirect_vreg.gather [hbm4b:s7+s3], $0x80, v4, vm0, $0xb8;
	[tilespmem:$0x1C200] =	vst v63  }
0xb7: {  	s26 =	simm.s32 $0x16200  }
0xb8: {  	[tilespmem:s26], [sflag:$0x6] =	stream.indirect_vreg.gather [hbm4b:s2+s3], $0x80, v3, vm0, $0xb8;
	[tilespmem:$0x1C200] =	vst v63  }
0xb9: {  	s14 =	simm.s32 $0x16A00  }
0xba: {  	[tilespmem:s14], [sflag:$0x6] =	stream.indirect_vreg.gather [hbm4b:s5+s3], $0x80, v3, vm0, $0xb8;
	[tilespmem:$0x1C200] =	vst v63  }
0xbb: {  	s22 =	simm.s32 $0x17200  }
0xbc: {  	[tilespmem:s22], [sflag:$0x6] =	stream.indirect_vreg.gather [hbm4b:s6+s3], $0x80, v3, vm0, $0xb8;
	[tilespmem:$0x1C200] =	vst v63  }
0xbd: {  	s26 =	simm.s32 $0x17A00  }
0xbe: {  	[tilespmem:s26], [sflag:$0x6] =	stream.indirect_vreg.gather [hbm4b:s7+s3], $0x80, v3, vm0, $0xb8;
	[tilespmem:$0x1C200] =	vst v63  }
0xbf: {  	_ =	swait.ge [sflag:s23], $0x4000  }
0xc0: {  	[sflag:s23] =	ssyncset.done $0x0  }
0xc1: {  	s4 =	simm.s32 $0x8200;
	s9 =	rddreg [dreg:$0x6];
	[sflag:s23] =	ssyncadd.s32 $0xFFFFC000  }
0xc2: {  	[hbm4b:s9+s3] =	stream.linear.scatter [tilespmem:s4], [sflag:$0xA], $0x4000, $0x38;
	[tilespmem:$0x1C200] =	vst v63  }
0xc3: {  	v3 =	vld [tilespmem:$0x60];
	_ =	sdelay $0x4  }
0xc4: {  	v38 =	vshll.u32 v3, $0x3  }
0xc5: {  	v3 =	vand.u32 $0x7, v3;
	v4 =	vand.u32 $0xFFFFFFC0, v38  }
0xc6: {  	v3 =	vor.u32 v3, v4  }
0xc7: {  	v4 =	vperm.xlane v3, v0;
	_ =	sdelay $0x1  }
0xc8: {  	v4 =	vadd.s32 v1, v4;
	_ =	sdelay $0x3  }
0xc9: {  	s22 =	simm.s32 $0x18200  }
0xca: {  	[tilespmem:s22], [sflag:$0x7] =	stream.indirect_vreg.gather [hbm4b:s2+s3], $0x80, v4, vm0, $0xb8;
	[tilespmem:$0x1C200] =	vst v63  }
0xcb: {  	s26 =	simm.s32 $0x18A00;
	v3 =	vperm.xlane v3, v2  }
0xcc: {  	[tilespmem:s26], [sflag:$0x7] =	stream.indirect_vreg.gather [hbm4b:s5+s3], $0x80, v4, vm0, $0xb8;
	[tilespmem:$0x1C200] =	vst v63  }
0xcd: {  	s9 =	simm.s32 $0x19200;
	v3 =	vadd.s32 v1, v3  }
0xce: {  	[tilespmem:s9], [sflag:$0x7] =	stream.indirect_vreg.gather [hbm4b:s6+s3], $0x80, v4, vm0, $0xb8;
	[tilespmem:$0x1C200] =	vst v63  }
0xcf: {  	s26 =	simm.s32 $0x19A00  }
0xd0: {  	[tilespmem:s26], [sflag:$0x7] =	stream.indirect_vreg.gather [hbm4b:s7+s3], $0x80, v4, vm0, $0xb8;
	[tilespmem:$0x1C200] =	vst v63  }
0xd1: {  	s9 =	simm.s32 $0x1A200  }
0xd2: {  	[tilespmem:s9], [sflag:$0x7] =	stream.indirect_vreg.gather [hbm4b:s2+s3], $0x80, v3, vm0, $0xb8;
	[tilespmem:$0x1C200] =	vst v63  }
0xd3: {  	s26 =	simm.s32 $0x1AA00  }
0xd4: {  	[tilespmem:s26], [sflag:$0x7] =	stream.indirect_vreg.gather [hbm4b:s5+s3], $0x80, v3, vm0, $0xb8;
	[tilespmem:$0x1C200] =	vst v63  }
0xd5: {  	s9 =	simm.s32 $0x1B200  }
0xd6: {  	[tilespmem:s9], [sflag:$0x7] =	stream.indirect_vreg.gather [hbm4b:s6+s3], $0x80, v3, vm0, $0xb8;
	[tilespmem:$0x1C200] =	vst v63  }
0xd7: {  	s26 =	simm.s32 $0x1BA00  }
0xd8: {  	[tilespmem:s26], [sflag:$0x7] =	stream.indirect_vreg.gather [hbm4b:s7+s3], $0x80, v3, vm0, $0xb8;
	[tilespmem:$0x1C200] =	vst v63  }
0xd9: {  	_ =	swait.ge [sflag:s25], $0x4000  }
0xda: {  	[sflag:s25] =	ssyncset.done $0x0  }
0xdb: {  	s12 =	simm.s32 $0xC200;
	s9 =	rddreg [dreg:$0x7];
	[sflag:s25] =	ssyncadd.s32 $0xFFFFC000  }
0xdc: {  	[hbm4b:s9+s3] =	stream.linear.scatter [tilespmem:s12], [sflag:$0xB], $0x4000, $0x38;
	[tilespmem:$0x1C200] =	vst v63  }
0xdd: {  	_ =	swait.ge [sflag:s28], $0x4000  }
0xde: {  	[sflag:s28] =	ssyncset.done $0x0  }
0xdf: {  	[sflag:s28] =	ssyncadd.s32 $0xFFFFC000  }
0xe0: {  	v3 =	vld [tilespmem:$0x70];
	_ =	sdelay $0x4  }
0xe1: {  	v39 =	vshll.u32 v3, $0x3  }
0xe2: {  	v3 =	vand.u32 $0x7, v3;
	v4 =	vand.u32 $0xFFFFFFC0, v39  }
0xe3: {  	v3 =	vor.u32 v3, v4  }
0xe4: {  	v4 =	vperm.xlane v3, v0;
	_ =	sdelay $0x1  }
0xe5: {  	v4 =	vadd.s32 v1, v4;
	_ =	sdelay $0x4  }
0xe6: {  	[tilespmem:s29], [sflag:$0x1] =	stream.indirect_vreg.gather [hbm4b:s2+s3], $0x80, v4, vm0, $0xb8;
	[tilespmem:$0x1C200] =	vst v63  }
0xe7: {  	s1 =	simm.s32 $0xA00;
	v3 =	vperm.xlane v3, v2  }
0xe8: {  	[tilespmem:s1], [sflag:$0x1] =	stream.indirect_vreg.gather [hbm4b:s5+s3], $0x80, v4, vm0, $0xb8;
	[tilespmem:$0x1C200] =	vst v63  }
0xe9: {  	s14 =	simm.s32 $0x1200;
	v3 =	vadd.s32 v1, v3  }
0xea: {  	[tilespmem:s14], [sflag:$0x1] =	stream.indirect_vreg.gather [hbm4b:s6+s3], $0x80, v4, vm0, $0xb8;
	[tilespmem:$0x1C200] =	vst v63  }
0xeb: {  	s26 =	simm.s32 $0x1A00  }
0xec: {  	[tilespmem:s26], [sflag:$0x1] =	stream.indirect_vreg.gather [hbm4b:s7+s3], $0x80, v4, vm0, $0xb8;
	[tilespmem:$0x1C200] =	vst v63  }
0xed: {  	s9 =	simm.s32 $0x2200  }
0xee: {  	[tilespmem:s9], [sflag:$0x1] =	stream.indirect_vreg.gather [hbm4b:s2+s3], $0x80, v3, vm0, $0xb8;
	[tilespmem:$0x1C200] =	vst v63  }
0xef: {  	s14 =	simm.s32 $0x2A00  }
0xf0: {  	[tilespmem:s14], [sflag:$0x1] =	stream.indirect_vreg.gather [hbm4b:s5+s3], $0x80, v3, vm0, $0xb8;
	[tilespmem:$0x1C200] =	vst v63  }
0xf1: {  	s26 =	simm.s32 $0x3200  }
0xf2: {  	[tilespmem:s26], [sflag:$0x1] =	stream.indirect_vreg.gather [hbm4b:s6+s3], $0x80, v3, vm0, $0xb8;
	[tilespmem:$0x1C200] =	vst v63  }
0xf3: {  	s31 =	simm.s32 $0x3A00  }
0xf4: {  	[tilespmem:s31], [sflag:$0x1] =	stream.indirect_vreg.gather [hbm4b:s7+s3], $0x80, v3, vm0, $0xb8;
	[tilespmem:$0x1C200] =	vst v63  }
0xf5: {  	s31 =	simm.s32 $0x5  }
0xf6: {  	_ =	swait.ge [sflag:s31], $0x4000  }
0xf7: {  	[sflag:s31] =	ssyncset.done $0x0  }
0xf8: {  	s26 =	simm.s32 $0x10200;
	s9 =	rddreg [dreg:$0x8];
	[sflag:s31] =	ssyncadd.s32 $0xFFFFC000  }
0xf9: {  	[hbm4b:s9+s3] =	stream.linear.scatter [tilespmem:s26], [sflag:$0xC], $0x4000, $0x38;
	[tilespmem:$0x1C200] =	vst v63  }
0xfa: {  	_ =	swait.ge [sflag:s30], $0x4000  }
0xfb: {  	[sflag:s30] =	ssyncset.done $0x0  }
0xfc: {  	[sflag:s30] =	ssyncadd.s32 $0xFFFFC000  }
0xfd: {  	v3 =	vld [tilespmem:$0x80];
	_ =	sdelay $0x4  }
0xfe: {  	v40 =	vshll.u32 v3, $0x3  }
0xff: {  	v3 =	vand.u32 $0x7, v3;
	v4 =	vand.u32 $0xFFFFFFC0, v40  }
0x100: {  	v3 =	vor.u32 v3, v4  }
0x101: {  	v4 =	vperm.xlane v3, v0;
	_ =	sdelay $0x1  }
0x102: {  	v4 =	vadd.s32 v1, v4;
	_ =	sdelay $0x3  }
0x103: {  	s8 =	simm.s32 $0x4200  }
0x104: {  	[tilespmem:s8], [sflag:$0x2] =	stream.indirect_vreg.gather [hbm4b:s2+s3], $0x80, v4, vm0, $0xb8;
	[tilespmem:$0x1C200] =	vst v63  }
0x105: {  	s14 =	simm.s32 $0x4A00;
	v3 =	vperm.xlane v3, v2  }
0x106: {  	[tilespmem:s14], [sflag:$0x2] =	stream.indirect_vreg.gather [hbm4b:s5+s3], $0x80, v4, vm0, $0xb8;
	[tilespmem:$0x1C200] =	vst v63  }
0x107: {  	s9 =	simm.s32 $0x5200;
	v3 =	vadd.s32 v1, v3  }
0x108: {  	[tilespmem:s9], [sflag:$0x2] =	stream.indirect_vreg.gather [hbm4b:s6+s3], $0x80, v4, vm0, $0xb8;
	[tilespmem:$0x1C200] =	vst v63  }
0x109: {  	s14 =	simm.s32 $0x5A00  }
0x10a: {  	[tilespmem:s14], [sflag:$0x2] =	stream.indirect_vreg.gather [hbm4b:s7+s3], $0x80, v4, vm0, $0xb8;
	[tilespmem:$0x1C200] =	vst v63  }
0x10b: {  	s9 =	simm.s32 $0x6200  }
0x10c: {  	[tilespmem:s9], [sflag:$0x2] =	stream.indirect_vreg.gather [hbm4b:s2+s3], $0x80, v3, vm0, $0xb8;
	[tilespmem:$0x1C200] =	vst v63  }
0x10d: {  	s14 =	simm.s32 $0x6A00  }
0x10e: {  	[tilespmem:s14], [sflag:$0x2] =	stream.indirect_vreg.gather [hbm4b:s5+s3], $0x80, v3, vm0, $0xb8;
	[tilespmem:$0x1C200] =	vst v63  }
0x10f: {  	s9 =	simm.s32 $0x7200  }
0x110: {  	[tilespmem:s9], [sflag:$0x2] =	stream.indirect_vreg.gather [hbm4b:s6+s3], $0x80, v3, vm0, $0xb8;
	[tilespmem:$0x1C200] =	vst v63  }
0x111: {  	s1 =	simm.s32 $0x6;
	s14 =	simm.s32 $0x7A00  }
0x112: {  	[tilespmem:s14], [sflag:$0x2] =	stream.indirect_vreg.gather [hbm4b:s7+s3], $0x80, v3, vm0, $0xb8;
	[tilespmem:$0x1C200] =	vst v63  }
0x113: {  	_ =	swait.ge [sflag:s1], $0x4000  }
0x114: {  	[sflag:s1] =	ssyncset.done $0x0  }
0x115: {  	s11 =	simm.s32 $0x14200;
	s9 =	rddreg [dreg:$0x9];
	[sflag:s1] =	ssyncadd.s32 $0xFFFFC000  }
0x116: {  	[hbm4b:s9+s3] =	stream.linear.scatter [tilespmem:s11], [sflag:$0xD], $0x4000, $0x38;
	[tilespmem:$0x1C200] =	vst v63  }
0x117: {  	_ =	swait.ge [sflag:s0], $0x4000  }
0x118: {  	[sflag:s0] =	ssyncset.done $0x0  }
0x119: {  	[sflag:s0] =	ssyncadd.s32 $0xFFFFC000  }
0x11a: {  	v3 =	vld [tilespmem:$0x90];
	_ =	sdelay $0x4  }
0x11b: {  	v41 =	vshll.u32 v3, $0x3  }
0x11c: {  	v3 =	vand.u32 $0x7, v3;
	v4 =	vand.u32 $0xFFFFFFC0, v41  }
0x11d: {  	v3 =	vor.u32 v3, v4  }
0x11e: {  	v4 =	vperm.xlane v3, v0;
	_ =	sdelay $0x1  }
0x11f: {  	v4 =	vadd.s32 v1, v4;
	_ =	sdelay $0x3  }
0x120: {  	s4 =	simm.s32 $0x8200  }
0x121: {  	[tilespmem:s4], [sflag:$0x3] =	stream.indirect_vreg.gather [hbm4b:s2+s3], $0x80, v4, vm0, $0xb8;
	[tilespmem:$0x1C200] =	vst v63  }
0x122: {  	s14 =	simm.s32 $0x8A00;
	v3 =	vperm.xlane v3, v2  }
0x123: {  	[tilespmem:s14], [sflag:$0x3] =	stream.indirect_vreg.gather [hbm4b:s5+s3], $0x80, v4, vm0, $0xb8;
	[tilespmem:$0x1C200] =	vst v63  }
0x124: {  	s15 =	simm.s32 $0x9200;
	v3 =	vadd.s32 v1, v3  }
0x125: {  	[tilespmem:s15], [sflag:$0x3] =	stream.indirect_vreg.gather [hbm4b:s6+s3], $0x80, v4, vm0, $0xb8;
	[tilespmem:$0x1C200] =	vst v63  }
0x126: {  	s14 =	simm.s32 $0x9A00  }
0x127: {  	[tilespmem:s14], [sflag:$0x3] =	stream.indirect_vreg.gather [hbm4b:s7+s3], $0x80, v4, vm0, $0xb8;
	[tilespmem:$0x1C200] =	vst v63  }
0x128: {  	s15 =	simm.s32 $0xA200  }
0x129: {  	[tilespmem:s15], [sflag:$0x3] =	stream.indirect_vreg.gather [hbm4b:s2+s3], $0x80, v3, vm0, $0xb8;
	[tilespmem:$0x1C200] =	vst v63  }
0x12a: {  	s14 =	simm.s32 $0xAA00  }
0x12b: {  	[tilespmem:s14], [sflag:$0x3] =	stream.indirect_vreg.gather [hbm4b:s5+s3], $0x80, v3, vm0, $0xb8;
	[tilespmem:$0x1C200] =	vst v63  }
0x12c: {  	s15 =	simm.s32 $0xB200  }
0x12d: {  	[tilespmem:s15], [sflag:$0x3] =	stream.indirect_vreg.gather [hbm4b:s6+s3], $0x80, v3, vm0, $0xb8;
	[tilespmem:$0x1C200] =	vst v63  }
0x12e: {  	s11 =	simm.s32 $0x7;
	s14 =	simm.s32 $0xBA00  }
0x12f: {  	[tilespmem:s14], [sflag:$0x3] =	stream.indirect_vreg.gather [hbm4b:s7+s3], $0x80, v3, vm0, $0xb8;
	[tilespmem:$0x1C200] =	vst v63  }
0x130: {  	_ =	swait.ge [sflag:s11], $0x4000  }
0x131: {  	[sflag:s11] =	ssyncset.done $0x0  }
0x132: {  	s22 =	simm.s32 $0x18200;
	s15 =	rddreg [dreg:$0xa];
	[sflag:s11] =	ssyncadd.s32 $0xFFFFC000  }
0x133: {  	[hbm4b:s15+s3] =	stream.linear.scatter [tilespmem:s22], [sflag:$0xE], $0x4000, $0x38;
	[tilespmem:$0x1C200] =	vst v63  }
0x134: {  	_ =	swait.ge [sflag:s10], $0x4000  }
0x135: {  	[sflag:s10] =	ssyncset.done $0x0  }
0x136: {  	[sflag:s10] =	ssyncadd.s32 $0xFFFFC000  }
0x137: {  	v3 =	vld [tilespmem:$0xA0];
	_ =	sdelay $0x4  }
0x138: {  	v42 =	vshll.u32 v3, $0x3  }
0x139: {  	v3 =	vand.u32 $0x7, v3;
	v4 =	vand.u32 $0xFFFFFFC0, v42  }
0x13a: {  	v3 =	vor.u32 v3, v4  }
0x13b: {  	v4 =	vperm.xlane v3, v0;
	_ =	sdelay $0x1  }
0x13c: {  	v4 =	vadd.s32 v1, v4;
	_ =	sdelay $0x3  }
0x13d: {  	s12 =	simm.s32 $0xC200  }
0x13e: {  	[tilespmem:s12], [sflag:$0x4] =	stream.indirect_vreg.gather [hbm4b:s2+s3], $0x80, v4, vm0, $0xb8;
	[tilespmem:$0x1C200] =	vst v63  }
0x13f: {  	s14 =	simm.s32 $0xCA00;
	v3 =	vperm.xlane v3, v2  }
0x140: {  	[tilespmem:s14], [sflag:$0x4] =	stream.indirect_vreg.gather [hbm4b:s5+s3], $0x80, v4, vm0, $0xb8;
	[tilespmem:$0x1C200] =	vst v63  }
0x141: {  	s16 =	simm.s32 $0xD200;
	v3 =	vadd.s32 v1, v3  }
0x142: {  	[tilespmem:s16], [sflag:$0x4] =	stream.indirect_vreg.gather [hbm4b:s6+s3], $0x80, v4, vm0, $0xb8;
	[tilespmem:$0x1C200] =	vst v63  }
0x143: {  	s18 =	simm.s32 $0xDA00  }
0x144: {  	[tilespmem:s18], [sflag:$0x4] =	stream.indirect_vreg.gather [hbm4b:s7+s3], $0x80, v4, vm0, $0xb8;
	[tilespmem:$0x1C200] =	vst v63  }
0x145: {  	s20 =	simm.s32 $0xE200  }
0x146: {  	[tilespmem:s20], [sflag:$0x4] =	stream.indirect_vreg.gather [hbm4b:s2+s3], $0x80, v3, vm0, $0xb8;
	[tilespmem:$0x1C200] =	vst v63  }
0x147: {  	s24 =	simm.s32 $0xEA00  }
0x148: {  	[tilespmem:s24], [sflag:$0x4] =	stream.indirect_vreg.gather [hbm4b:s5+s3], $0x80, v3, vm0, $0xb8;
	[tilespmem:$0x1C200] =	vst v63  }
0x149: {  	s18 =	simm.s32 $0xF200  }
0x14a: {  	[tilespmem:s18], [sflag:$0x4] =	stream.indirect_vreg.gather [hbm4b:s6+s3], $0x80, v3, vm0, $0xb8;
	[tilespmem:$0x1C200] =	vst v63  }
0x14b: {  	s20 =	simm.s32 $0xFA00  }
0x14c: {  	[tilespmem:s20], [sflag:$0x4] =	stream.indirect_vreg.gather [hbm4b:s7+s3], $0x80, v3, vm0, $0xb8;
	[tilespmem:$0x1C200] =	vst v63  }
0x14d: {  	_ =	swait.ge [sflag:s19], $0x4000  }
0x14e: {  	[sflag:s19] =	ssyncset.done $0x0  }
0x14f: {  	s22 =	rddreg [dreg:$0xb];
	[sflag:s19] =	ssyncadd.s32 $0xFFFFC000  }
0x150: {  	[hbm4b:s22+s3] =	stream.linear.scatter [tilespmem:s29], [sflag:$0x8], $0x4000, $0x38;
	[tilespmem:$0x1C200] =	vst v63  }
0x151: {  	s22 =	simm.s32 $0xC  }
0x152: {  	_ =	swait.ge [sflag:s22], $0x4000  }
0x153: {  	[sflag:s22] =	ssyncset.done $0x0  }
0x154: {  	[sflag:s22] =	ssyncadd.s32 $0xFFFFC000  }
0x155: {  	v3 =	vld [tilespmem:$0xB0];
	_ =	sdelay $0x4  }
0x156: {  	v43 =	vshll.u32 v3, $0x3  }
0x157: {  	v3 =	vand.u32 $0x7, v3;
	v4 =	vand.u32 $0xFFFFFFC0, v43  }
0x158: {  	v3 =	vor.u32 v3, v4  }
0x159: {  	v4 =	vperm.xlane v3, v0;
	_ =	sdelay $0x1  }
0x15a: {  	v4 =	vadd.s32 v1, v4;
	_ =	sdelay $0x4  }
0x15b: {  	[tilespmem:s26], [sflag:$0x5] =	stream.indirect_vreg.gather [hbm4b:s2+s3], $0x80, v4, vm0, $0xb8;
	[tilespmem:$0x1C200] =	vst v63  }
0x15c: {  	s24 =	simm.s32 $0x10A00;
	v3 =	vperm.xlane v3, v2  }
0x15d: {  	[tilespmem:s24], [sflag:$0x5] =	stream.indirect_vreg.gather [hbm4b:s5+s3], $0x80, v4, vm0, $0xb8;
	[tilespmem:$0x1C200] =	vst v63  }
0x15e: {  	s13 =	simm.s32 $0x11200;
	v3 =	vadd.s32 v1, v3  }
0x15f: {  	[tilespmem:s13], [sflag:$0x5] =	stream.indirect_vreg.gather [hbm4b:s6+s3], $0x80, v4, vm0, $0xb8;
	[tilespmem:$0x1C200] =	vst v63  }
0x160: {  	s12 =	simm.s32 $0x11A00  }
0x161: {  	[tilespmem:s12], [sflag:$0x5] =	stream.indirect_vreg.gather [hbm4b:s7+s3], $0x80, v4, vm0, $0xb8;
	[tilespmem:$0x1C200] =	vst v63  }
0x162: {  	s26 =	simm.s32 $0x12200  }
0x163: {  	[tilespmem:s26], [sflag:$0x5] =	stream.indirect_vreg.gather [hbm4b:s2+s3], $0x80, v3, vm0, $0xb8;
	[tilespmem:$0x1C200] =	vst v63  }
0x164: {  	s14 =	simm.s32 $0x12A00  }
0x165: {  	[tilespmem:s14], [sflag:$0x5] =	stream.indirect_vreg.gather [hbm4b:s5+s3], $0x80, v3, vm0, $0xb8;
	[tilespmem:$0x1C200] =	vst v63  }
0x166: {  	s18 =	simm.s32 $0x13200  }
0x167: {  	[tilespmem:s18], [sflag:$0x5] =	stream.indirect_vreg.gather [hbm4b:s6+s3], $0x80, v3, vm0, $0xb8;
	[tilespmem:$0x1C200] =	vst v63  }
0x168: {  	s20 =	simm.s32 $0x13A00  }
0x169: {  	[tilespmem:s20], [sflag:$0x5] =	stream.indirect_vreg.gather [hbm4b:s7+s3], $0x80, v3, vm0, $0xb8;
	[tilespmem:$0x1C200] =	vst v63  }
0x16a: {  	_ =	swait.ge [sflag:s21], $0x4000  }
0x16b: {  	s8 =	simm.s32 $0x4200;
	[sflag:s21] =	ssyncset.done $0x0  }
0x16c: {  	s13 =	simm.s32 $0xD;
	s24 =	rddreg [dreg:$0xc];
	[sflag:s21] =	ssyncadd.s32 $0xFFFFC000  }
0x16d: {  	[hbm4b:s24+s3] =	stream.linear.scatter [tilespmem:s8], [sflag:$0x9], $0x4000, $0x38;
	[tilespmem:$0x1C200] =	vst v63  }
0x16e: {  	_ =	swait.ge [sflag:s13], $0x4000  }
0x16f: {  	[sflag:s13] =	ssyncset.done $0x0  }
0x170: {  	[sflag:s13] =	ssyncadd.s32 $0xFFFFC000  }
0x171: {  	v3 =	vld [tilespmem:$0xC0];
	_ =	sdelay $0x4  }
0x172: {  	v44 =	vshll.u32 v3, $0x3  }
0x173: {  	v3 =	vand.u32 $0x7, v3;
	v4 =	vand.u32 $0xFFFFFFC0, v44  }
0x174: {  	v3 =	vor.u32 v3, v4  }
0x175: {  	v4 =	vperm.xlane v3, v0;
	_ =	sdelay $0x1  }
0x176: {  	v4 =	vadd.s32 v1, v4;
	_ =	sdelay $0x3  }
0x177: {  	s9 =	simm.s32 $0x14200  }
0x178: {  	[tilespmem:s9], [sflag:$0x6] =	stream.indirect_vreg.gather [hbm4b:s2+s3], $0x80, v4, vm0, $0xb8;
	[tilespmem:$0x1C200] =	vst v63  }
0x179: {  	s26 =	simm.s32 $0x14A00;
	v3 =	vperm.xlane v3, v2  }
0x17a: {  	[tilespmem:s26], [sflag:$0x6] =	stream.indirect_vreg.gather [hbm4b:s5+s3], $0x80, v4, vm0, $0xb8;
	[tilespmem:$0x1C200] =	vst v63  }
0x17b: {  	v3 =	vadd.s32 v1, v3;
	s9 =	simm.s32 $0x15200  }
0x17c: {  	[tilespmem:s9], [sflag:$0x6] =	stream.indirect_vreg.gather [hbm4b:s6+s3], $0x80, v4, vm0, $0xb8;
	[tilespmem:$0x1C200] =	vst v63  }
0x17d: {  	s14 =	simm.s32 $0x15A00  }
0x17e: {  	[tilespmem:s14], [sflag:$0x6] =	stream.indirect_vreg.gather [hbm4b:s7+s3], $0x80, v4, vm0, $0xb8;
	[tilespmem:$0x1C200] =	vst v63  }
0x17f: {  	s20 =	simm.s32 $0x16200  }
0x180: {  	[tilespmem:s20], [sflag:$0x6] =	stream.indirect_vreg.gather [hbm4b:s2+s3], $0x80, v3, vm0, $0xb8;
	[tilespmem:$0x1C200] =	vst v63  }
0x181: {  	s26 =	simm.s32 $0x16A00  }
0x182: {  	[tilespmem:s26], [sflag:$0x6] =	stream.indirect_vreg.gather [hbm4b:s5+s3], $0x80, v3, vm0, $0xb8;
	[tilespmem:$0x1C200] =	vst v63  }
0x183: {  	s9 =	simm.s32 $0x17200  }
0x184: {  	[tilespmem:s9], [sflag:$0x6] =	stream.indirect_vreg.gather [hbm4b:s6+s3], $0x80, v3, vm0, $0xb8;
	[tilespmem:$0x1C200] =	vst v63  }
0x185: {  	s14 =	simm.s32 $0x17A00  }
0x186: {  	[tilespmem:s14], [sflag:$0x6] =	stream.indirect_vreg.gather [hbm4b:s7+s3], $0x80, v3, vm0, $0xb8;
	[tilespmem:$0x1C200] =	vst v63  }
0x187: {  	_ =	swait.ge [sflag:s23], $0x4000  }
0x188: {  	s4 =	simm.s32 $0x8200;
	[sflag:s23] =	ssyncset.done $0x0  }
0x189: {  	s8 =	simm.s32 $0xE;
	s20 =	rddreg [dreg:$0xd];
	[sflag:s23] =	ssyncadd.s32 $0xFFFFC000  }
0x18a: {  	[hbm4b:s20+s3] =	stream.linear.scatter [tilespmem:s4], [sflag:$0xA], $0x4000, $0x38;
	[tilespmem:$0x1C200] =	vst v63  }
0x18b: {  	_ =	swait.ge [sflag:s8], $0x4000  }
0x18c: {  	[sflag:s8] =	ssyncset.done $0x0  }
0x18d: {  	[sflag:s8] =	ssyncadd.s32 $0xFFFFC000  }
0x18e: {  	v3 =	vld [tilespmem:$0xD0];
	_ =	sdelay $0x4  }
0x18f: {  	v45 =	vshll.u32 v3, $0x3  }
0x190: {  	v3 =	vand.u32 $0x7, v3;
	v4 =	vand.u32 $0xFFFFFFC0, v45  }
0x191: {  	v3 =	vor.u32 v3, v4  }
0x192: {  	v4 =	vperm.xlane v3, v0;
	_ =	sdelay $0x1  }
0x193: {  	v4 =	vadd.s32 v1, v4;
	_ =	sdelay $0x3  }
0x194: {  	s15 =	simm.s32 $0x18200  }
0x195: {  	[tilespmem:s15], [sflag:$0x7] =	stream.indirect_vreg.gather [hbm4b:s2+s3], $0x80, v4, vm0, $0xb8;
	[tilespmem:$0x1C200] =	vst v63  }
0x196: {  	s26 =	simm.s32 $0x18A00;
	v3 =	vperm.xlane v3, v2  }
0x197: {  	[tilespmem:s26], [sflag:$0x7] =	stream.indirect_vreg.gather [hbm4b:s5+s3], $0x80, v4, vm0, $0xb8;
	[tilespmem:$0x1C200] =	vst v63  }
0x198: {  	s9 =	simm.s32 $0x19200;
	v3 =	vadd.s32 v1, v3  }
0x199: {  	[tilespmem:s9], [sflag:$0x7] =	stream.indirect_vreg.gather [hbm4b:s6+s3], $0x80, v4, vm0, $0xb8;
	[tilespmem:$0x1C200] =	vst v63  }
0x19a: {  	s4 =	simm.s32 $0x19A00  }
0x19b: {  	[tilespmem:s4], [sflag:$0x7] =	stream.indirect_vreg.gather [hbm4b:s7+s3], $0x80, v4, vm0, $0xb8;
	[tilespmem:$0x1C200] =	vst v63  }
0x19c: {  	s14 =	simm.s32 $0x1A200  }
0x19d: {  	[tilespmem:s14], [sflag:$0x7] =	stream.indirect_vreg.gather [hbm4b:s2+s3], $0x80, v3, vm0, $0xb8;
	[tilespmem:$0x1C200] =	vst v63  }
0x19e: {  	s26 =	simm.s32 $0x1AA00  }
0x19f: {  	[tilespmem:s26], [sflag:$0x7] =	stream.indirect_vreg.gather [hbm4b:s5+s3], $0x80, v3, vm0, $0xb8;
	[tilespmem:$0x1C200] =	vst v63  }
0x1a0: {  	s9 =	simm.s32 $0x1B200  }
0x1a1: {  	[tilespmem:s9], [sflag:$0x7] =	stream.indirect_vreg.gather [hbm4b:s6+s3], $0x80, v3, vm0, $0xb8;
	[tilespmem:$0x1C200] =	vst v63  }
0x1a2: {  	s14 =	simm.s32 $0x1BA00  }
0x1a3: {  	[tilespmem:s14], [sflag:$0x7] =	stream.indirect_vreg.gather [hbm4b:s7+s3], $0x80, v3, vm0, $0xb8;
	[tilespmem:$0x1C200] =	vst v63  }
0x1a4: {  	_ =	swait.ge [sflag:s25], $0x4000  }
0x1a5: {  	[sflag:s25] =	ssyncset.done $0x0  }
0x1a6: {  	s9 =	simm.s32 $0xC200;
	s26 =	rddreg [dreg:$0xe];
	[sflag:s25] =	ssyncadd.s32 $0xFFFFC000  }
0x1a7: {  	[hbm4b:s26+s3] =	stream.linear.scatter [tilespmem:s9], [sflag:$0xB], $0x4000, $0x38;
	[tilespmem:$0x1C200] =	vst v63  }
0x1a8: {  	_ =	swait.ge [sflag:s28], $0x4000  }
0x1a9: {  	[sflag:s28] =	ssyncset.done $0x0  }
0x1aa: {  	[sflag:s28] =	ssyncadd.s32 $0xFFFFC000  }
0x1ab: {  	v3 =	vld [tilespmem:$0xE0];
	_ =	sdelay $0x4  }
0x1ac: {  	v46 =	vshll.u32 v3, $0x3  }
0x1ad: {  	v3 =	vand.u32 $0x7, v3;
	v4 =	vand.u32 $0xFFFFFFC0, v46  }
0x1ae: {  	v3 =	vor.u32 v3, v4  }
0x1af: {  	v4 =	vperm.xlane v3, v0;
	_ =	sdelay $0x1  }
0x1b0: {  	v4 =	vadd.s32 v1, v4;
	_ =	sdelay $0x4  }
0x1b1: {  	[tilespmem:s29], [sflag:$0x1] =	stream.indirect_vreg.gather [hbm4b:s2+s3], $0x80, v4, vm0, $0xb8;
	[tilespmem:$0x1C200] =	vst v63  }
0x1b2: {  	s26 =	simm.s32 $0xA00;
	v3 =	vperm.xlane v3, v2  }
0x1b3: {  	[tilespmem:s26], [sflag:$0x1] =	stream.indirect_vreg.gather [hbm4b:s5+s3], $0x80, v4, vm0, $0xb8;
	[tilespmem:$0x1C200] =	vst v63  }
0x1b4: {  	v3 =	vadd.s32 v1, v3;
	s26 =	simm.s32 $0x1200  }
0x1b5: {  	[tilespmem:s26], [sflag:$0x1] =	stream.indirect_vreg.gather [hbm4b:s6+s3], $0x80, v4, vm0, $0xb8;
	[tilespmem:$0x1C200] =	vst v63  }
0x1b6: {  	s26 =	simm.s32 $0x1A00  }
0x1b7: {  	[tilespmem:s26], [sflag:$0x1] =	stream.indirect_vreg.gather [hbm4b:s7+s3], $0x80, v4, vm0, $0xb8;
	[tilespmem:$0x1C200] =	vst v63  }
0x1b8: {  	s26 =	simm.s32 $0x2200  }
0x1b9: {  	[tilespmem:s26], [sflag:$0x1] =	stream.indirect_vreg.gather [hbm4b:s2+s3], $0x80, v3, vm0, $0xb8;
	[tilespmem:$0x1C200] =	vst v63  }
0x1ba: {  	s26 =	simm.s32 $0x2A00  }
0x1bb: {  	[tilespmem:s26], [sflag:$0x1] =	stream.indirect_vreg.gather [hbm4b:s5+s3], $0x80, v3, vm0, $0xb8;
	[tilespmem:$0x1C200] =	vst v63  }
0x1bc: {  	s26 =	simm.s32 $0x3200  }
0x1bd: {  	[tilespmem:s26], [sflag:$0x1] =	stream.indirect_vreg.gather [hbm4b:s6+s3], $0x80, v3, vm0, $0xb8;
	[tilespmem:$0x1C200] =	vst v63  }
0x1be: {  	s26 =	simm.s32 $0x3A00  }
0x1bf: {  	[tilespmem:s26], [sflag:$0x1] =	stream.indirect_vreg.gather [hbm4b:s7+s3], $0x80, v3, vm0, $0xb8;
	[tilespmem:$0x1C200] =	vst v63  }
0x1c0: {  	_ =	swait.ge [sflag:s31], $0x4000  }
0x1c1: {  	[sflag:s31] =	ssyncset.done $0x0  }
0x1c2: {  	s16 =	simm.s32 $0x10200;
	s14 =	rddreg [dreg:$0xf];
	[sflag:s31] =	ssyncadd.s32 $0xFFFFC000  }
0x1c3: {  	[hbm4b:s14+s3] =	stream.linear.scatter [tilespmem:s16], [sflag:$0xC], $0x4000, $0x38;
	[tilespmem:$0x1C200] =	vst v63  }
0x1c4: {  	_ =	swait.ge [sflag:s30], $0x4000  }
0x1c5: {  	[sflag:s30] =	ssyncset.done $0x0  }
0x1c6: {  	[sflag:s30] =	ssyncadd.s32 $0xFFFFC000  }
0x1c7: {  	v3 =	vld [tilespmem:$0xF0];
	_ =	sdelay $0x4  }
0x1c8: {  	v47 =	vshll.u32 v3, $0x3  }
0x1c9: {  	v3 =	vand.u32 $0x7, v3;
	v4 =	vand.u32 $0xFFFFFFC0, v47  }
0x1ca: {  	v3 =	vor.u32 v3, v4  }
0x1cb: {  	v4 =	vperm.xlane v3, v0;
	_ =	sdelay $0x1  }
0x1cc: {  	v4 =	vadd.s32 v1, v4;
	_ =	sdelay $0x3  }
0x1cd: {  	s24 =	simm.s32 $0x4200  }
0x1ce: {  	[tilespmem:s24], [sflag:$0x2] =	stream.indirect_vreg.gather [hbm4b:s2+s3], $0x80, v4, vm0, $0xb8;
	[tilespmem:$0x1C200] =	vst v63  }
0x1cf: {  	s14 =	simm.s32 $0x4A00;
	v3 =	vperm.xlane v3, v2  }
0x1d0: {  	[tilespmem:s14], [sflag:$0x2] =	stream.indirect_vreg.gather [hbm4b:s5+s3], $0x80, v4, vm0, $0xb8;
	[tilespmem:$0x1C200] =	vst v63  }
0x1d1: {  	v3 =	vadd.s32 v1, v3;
	s14 =	simm.s32 $0x5200  }
0x1d2: {  	[tilespmem:s14], [sflag:$0x2] =	stream.indirect_vreg.gather [hbm4b:s6+s3], $0x80, v4, vm0, $0xb8;
	[tilespmem:$0x1C200] =	vst v63  }
0x1d3: {  	s14 =	simm.s32 $0x5A00  }
0x1d4: {  	[tilespmem:s14], [sflag:$0x2] =	stream.indirect_vreg.gather [hbm4b:s7+s3], $0x80, v4, vm0, $0xb8;
	[tilespmem:$0x1C200] =	vst v63  }
0x1d5: {  	s14 =	simm.s32 $0x6200  }
0x1d6: {  	[tilespmem:s14], [sflag:$0x2] =	stream.indirect_vreg.gather [hbm4b:s2+s3], $0x80, v3, vm0, $0xb8;
	[tilespmem:$0x1C200] =	vst v63  }
0x1d7: {  	s14 =	simm.s32 $0x6A00  }
0x1d8: {  	[tilespmem:s14], [sflag:$0x2] =	stream.indirect_vreg.gather [hbm4b:s5+s3], $0x80, v3, vm0, $0xb8;
	[tilespmem:$0x1C200] =	vst v63  }
0x1d9: {  	s14 =	simm.s32 $0x7200  }
0x1da: {  	[tilespmem:s14], [sflag:$0x2] =	stream.indirect_vreg.gather [hbm4b:s6+s3], $0x80, v3, vm0, $0xb8;
	[tilespmem:$0x1C200] =	vst v63  }
0x1db: {  	s14 =	simm.s32 $0x7A00  }
0x1dc: {  	[tilespmem:s14], [sflag:$0x2] =	stream.indirect_vreg.gather [hbm4b:s7+s3], $0x80, v3, vm0, $0xb8;
	[tilespmem:$0x1C200] =	vst v63  }
0x1dd: {  	_ =	swait.ge [sflag:s1], $0x4000  }
0x1de: {  	[sflag:s1] =	ssyncset.done $0x0  }
0x1df: {  	s18 =	simm.s32 $0x14200;
	s14 =	rddreg [dreg:$0x10];
	[sflag:s1] =	ssyncadd.s32 $0xFFFFC000  }
0x1e0: {  	[hbm4b:s14+s3] =	stream.linear.scatter [tilespmem:s18], [sflag:$0xD], $0x4000, $0x38;
	[tilespmem:$0x1C200] =	vst v63  }
0x1e1: {  	_ =	swait.ge [sflag:s0], $0x4000  }
0x1e2: {  	[sflag:s0] =	ssyncset.done $0x0  }
0x1e3: {  	[sflag:s0] =	ssyncadd.s32 $0xFFFFC000  }
0x1e4: {  	v3 =	vld [tilespmem:$0x100];
	_ =	sdelay $0x4  }
0x1e5: {  	v48 =	vshll.u32 v3, $0x3  }
0x1e6: {  	v3 =	vand.u32 $0x7, v3;
	v4 =	vand.u32 $0xFFFFFFC0, v48  }
0x1e7: {  	v3 =	vor.u32 v3, v4  }
0x1e8: {  	v4 =	vperm.xlane v3, v0;
	_ =	sdelay $0x1  }
0x1e9: {  	v4 =	vadd.s32 v1, v4;
	_ =	sdelay $0x3  }
0x1ea: {  	s20 =	simm.s32 $0x8200  }
0x1eb: {  	[tilespmem:s20], [sflag:$0x3] =	stream.indirect_vreg.gather [hbm4b:s2+s3], $0x80, v4, vm0, $0xb8;
	[tilespmem:$0x1C200] =	vst v63  }
0x1ec: {  	s14 =	simm.s32 $0x8A00;
	v3 =	vperm.xlane v3, v2  }
0x1ed: {  	[tilespmem:s14], [sflag:$0x3] =	stream.indirect_vreg.gather [hbm4b:s5+s3], $0x80, v4, vm0, $0xb8;
	[tilespmem:$0x1C200] =	vst v63  }
0x1ee: {  	v3 =	vadd.s32 v1, v3;
	s14 =	simm.s32 $0x9200  }
0x1ef: {  	[tilespmem:s14], [sflag:$0x3] =	stream.indirect_vreg.gather [hbm4b:s6+s3], $0x80, v4, vm0, $0xb8;
	[tilespmem:$0x1C200] =	vst v63  }
0x1f0: {  	s14 =	simm.s32 $0x9A00  }
0x1f1: {  	[tilespmem:s14], [sflag:$0x3] =	stream.indirect_vreg.gather [hbm4b:s7+s3], $0x80, v4, vm0, $0xb8;
	[tilespmem:$0x1C200] =	vst v63  }
0x1f2: {  	s14 =	simm.s32 $0xA200  }
0x1f3: {  	[tilespmem:s14], [sflag:$0x3] =	stream.indirect_vreg.gather [hbm4b:s2+s3], $0x80, v3, vm0, $0xb8;
	[tilespmem:$0x1C200] =	vst v63  }
0x1f4: {  	s14 =	simm.s32 $0xAA00  }
0x1f5: {  	[tilespmem:s14], [sflag:$0x3] =	stream.indirect_vreg.gather [hbm4b:s5+s3], $0x80, v3, vm0, $0xb8;
	[tilespmem:$0x1C200] =	vst v63  }
0x1f6: {  	s14 =	simm.s32 $0xB200  }
0x1f7: {  	[tilespmem:s14], [sflag:$0x3] =	stream.indirect_vreg.gather [hbm4b:s6+s3], $0x80, v3, vm0, $0xb8;
	[tilespmem:$0x1C200] =	vst v63  }
0x1f8: {  	s14 =	simm.s32 $0xBA00  }
0x1f9: {  	[tilespmem:s14], [sflag:$0x3] =	stream.indirect_vreg.gather [hbm4b:s7+s3], $0x80, v3, vm0, $0xb8;
	[tilespmem:$0x1C200] =	vst v63  }
0x1fa: {  	_ =	swait.ge [sflag:s11], $0x4000  }
0x1fb: {  	[sflag:s11] =	ssyncset.done $0x0  }
0x1fc: {  	s15 =	simm.s32 $0x18200;
	s14 =	rddreg [dreg:$0x11];
	[sflag:s11] =	ssyncadd.s32 $0xFFFFC000  }
0x1fd: {  	[hbm4b:s14+s3] =	stream.linear.scatter [tilespmem:s15], [sflag:$0xE], $0x4000, $0x38;
	[tilespmem:$0x1C200] =	vst v63  }
0x1fe: {  	_ =	swait.ge [sflag:s10], $0x4000  }
0x1ff: {  	[sflag:s10] =	ssyncset.done $0x0  }
0x200: {  	[sflag:s10] =	ssyncadd.s32 $0xFFFFC000  }
0x201: {  	v3 =	vld [tilespmem:$0x110];
	_ =	sdelay $0x4  }
0x202: {  	v49 =	vshll.u32 v3, $0x3  }
0x203: {  	v3 =	vand.u32 $0x7, v3;
	v4 =	vand.u32 $0xFFFFFFC0, v49  }
0x204: {  	v3 =	vor.u32 v3, v4  }
0x205: {  	v4 =	vperm.xlane v3, v0;
	_ =	sdelay $0x1  }
0x206: {  	v4 =	vadd.s32 v1, v4;
	_ =	sdelay $0x4  }
0x207: {  	[tilespmem:s9], [sflag:$0x4] =	stream.indirect_vreg.gather [hbm4b:s2+s3], $0x80, v4, vm0, $0xb8;
	[tilespmem:$0x1C200] =	vst v63  }
0x208: {  	v3 =	vperm.xlane v3, v2;
	s9 =	simm.s32 $0xCA00  }
0x209: {  	[tilespmem:s9], [sflag:$0x4] =	stream.indirect_vreg.gather [hbm4b:s5+s3], $0x80, v4, vm0, $0xb8;
	[tilespmem:$0x1C200] =	vst v63  }
0x20a: {  	v3 =	vadd.s32 v1, v3;
	s9 =	simm.s32 $0xD200  }
0x20b: {  	[tilespmem:s9], [sflag:$0x4] =	stream.indirect_vreg.gather [hbm4b:s6+s3], $0x80, v4, vm0, $0xb8;
	[tilespmem:$0x1C200] =	vst v63  }
0x20c: {  	s14 =	simm.s32 $0xDA00  }
0x20d: {  	[tilespmem:s14], [sflag:$0x4] =	stream.indirect_vreg.gather [hbm4b:s7+s3], $0x80, v4, vm0, $0xb8;
	[tilespmem:$0x1C200] =	vst v63  }
0x20e: {  	s14 =	simm.s32 $0xE200  }
0x20f: {  	[tilespmem:s14], [sflag:$0x4] =	stream.indirect_vreg.gather [hbm4b:s2+s3], $0x80, v3, vm0, $0xb8;
	[tilespmem:$0x1C200] =	vst v63  }
0x210: {  	s14 =	simm.s32 $0xEA00  }
0x211: {  	[tilespmem:s14], [sflag:$0x4] =	stream.indirect_vreg.gather [hbm4b:s5+s3], $0x80, v3, vm0, $0xb8;
	[tilespmem:$0x1C200] =	vst v63  }
0x212: {  	s14 =	simm.s32 $0xF200  }
0x213: {  	[tilespmem:s14], [sflag:$0x4] =	stream.indirect_vreg.gather [hbm4b:s6+s3], $0x80, v3, vm0, $0xb8;
	[tilespmem:$0x1C200] =	vst v63  }
0x214: {  	s14 =	simm.s32 $0xFA00  }
0x215: {  	[tilespmem:s14], [sflag:$0x4] =	stream.indirect_vreg.gather [hbm4b:s7+s3], $0x80, v3, vm0, $0xb8;
	[tilespmem:$0x1C200] =	vst v63  }
0x216: {  	_ =	swait.ge [sflag:s19], $0x4000  }
0x217: {  	[sflag:s19] =	ssyncset.done $0x0  }
0x218: {  	s14 =	rddreg [dreg:$0x12];
	[sflag:s19] =	ssyncadd.s32 $0xFFFFC000  }
0x219: {  	[hbm4b:s14+s3] =	stream.linear.scatter [tilespmem:s29], [sflag:$0x8], $0x4000, $0x38;
	[tilespmem:$0x1C200] =	vst v63  }
0x21a: {  	_ =	swait.ge [sflag:s22], $0x4000  }
0x21b: {  	[sflag:s22] =	ssyncset.done $0x0  }
0x21c: {  	[sflag:s22] =	ssyncadd.s32 $0xFFFFC000  }
0x21d: {  	v3 =	vld [tilespmem:$0x120];
	_ =	sdelay $0x4  }
0x21e: {  	v50 =	vshll.u32 v3, $0x3  }
0x21f: {  	v3 =	vand.u32 $0x7, v3;
	v4 =	vand.u32 $0xFFFFFFC0, v50  }
0x220: {  	v3 =	vor.u32 v3, v4  }
0x221: {  	v4 =	vperm.xlane v3, v0;
	_ =	sdelay $0x1  }
0x222: {  	v4 =	vadd.s32 v1, v4;
	_ =	sdelay $0x4  }
0x223: {  	[tilespmem:s16], [sflag:$0x5] =	stream.indirect_vreg.gather [hbm4b:s2+s3], $0x80, v4, vm0, $0xb8;
	[tilespmem:$0x1C200] =	vst v63  }
0x224: {  	v3 =	vperm.xlane v3, v2;
	s16 =	simm.s32 $0x10A00  }
0x225: {  	[tilespmem:s16], [sflag:$0x5] =	stream.indirect_vreg.gather [hbm4b:s5+s3], $0x80, v4, vm0, $0xb8;
	[tilespmem:$0x1C200] =	vst v63  }
0x226: {  	v3 =	vadd.s32 v1, v3;
	s16 =	simm.s32 $0x11200  }
0x227: {  	[tilespmem:s16], [sflag:$0x5] =	stream.indirect_vreg.gather [hbm4b:s6+s3], $0x80, v4, vm0, $0xb8;
	[tilespmem:$0x1C200] =	vst v63  }
0x228: {  	_ = 	snop  }
0x229: {  	[tilespmem:s12], [sflag:$0x5] =	stream.indirect_vreg.gather [hbm4b:s7+s3], $0x80, v4, vm0, $0xb8;
	[tilespmem:$0x1C200] =	vst v63  }
0x22a: {  	s16 =	simm.s32 $0x12200  }
0x22b: {  	[tilespmem:s16], [sflag:$0x5] =	stream.indirect_vreg.gather [hbm4b:s2+s3], $0x80, v3, vm0, $0xb8;
	[tilespmem:$0x1C200] =	vst v63  }
0x22c: {  	s14 =	simm.s32 $0x12A00  }
0x22d: {  	[tilespmem:s14], [sflag:$0x5] =	stream.indirect_vreg.gather [hbm4b:s5+s3], $0x80, v3, vm0, $0xb8;
	[tilespmem:$0x1C200] =	vst v63  }
0x22e: {  	s16 =	simm.s32 $0x13200  }
0x22f: {  	[tilespmem:s16], [sflag:$0x5] =	stream.indirect_vreg.gather [hbm4b:s6+s3], $0x80, v3, vm0, $0xb8;
	[tilespmem:$0x1C200] =	vst v63  }
0x230: {  	s14 =	simm.s32 $0x13A00  }
0x231: {  	[tilespmem:s14], [sflag:$0x5] =	stream.indirect_vreg.gather [hbm4b:s7+s3], $0x80, v3, vm0, $0xb8;
	[tilespmem:$0x1C200] =	vst v63  }
0x232: {  	_ =	swait.ge [sflag:s21], $0x4000  }
0x233: {  	[sflag:s21] =	ssyncset.done $0x0  }
0x234: {  	s16 =	rddreg [dreg:$0x13];
	[sflag:s21] =	ssyncadd.s32 $0xFFFFC000  }
0x235: {  	[hbm4b:s16+s3] =	stream.linear.scatter [tilespmem:s24], [sflag:$0x9], $0x4000, $0x38;
	[tilespmem:$0x1C200] =	vst v63  }
0x236: {  	_ =	swait.ge [sflag:s13], $0x4000  }
0x237: {  	[sflag:s13] =	ssyncset.done $0x0  }
0x238: {  	[sflag:s13] =	ssyncadd.s32 $0xFFFFC000  }
0x239: {  	v3 =	vld [tilespmem:$0x130];
	_ =	sdelay $0x4  }
0x23a: {  	v51 =	vshll.u32 v3, $0x3  }
0x23b: {  	v3 =	vand.u32 $0x7, v3;
	v4 =	vand.u32 $0xFFFFFFC0, v51  }
0x23c: {  	v3 =	vor.u32 v3, v4  }
0x23d: {  	v4 =	vperm.xlane v3, v0;
	_ =	sdelay $0x1  }
0x23e: {  	v4 =	vadd.s32 v1, v4;
	_ =	sdelay $0x4  }
0x23f: {  	[tilespmem:s18], [sflag:$0x6] =	stream.indirect_vreg.gather [hbm4b:s2+s3], $0x80, v4, vm0, $0xb8;
	[tilespmem:$0x1C200] =	vst v63  }
0x240: {  	s24 =	simm.s32 $0x14A00;
	v3 =	vperm.xlane v3, v2  }
0x241: {  	[tilespmem:s24], [sflag:$0x6] =	stream.indirect_vreg.gather [hbm4b:s5+s3], $0x80, v4, vm0, $0xb8;
	[tilespmem:$0x1C200] =	vst v63  }
0x242: {  	s12 =	simm.s32 $0x15200;
	v3 =	vadd.s32 v1, v3  }
0x243: {  	[tilespmem:s12], [sflag:$0x6] =	stream.indirect_vreg.gather [hbm4b:s6+s3], $0x80, v4, vm0, $0xb8;
	[tilespmem:$0x1C200] =	vst v63  }
0x244: {  	s16 =	simm.s32 $0x15A00  }
0x245: {  	[tilespmem:s16], [sflag:$0x6] =	stream.indirect_vreg.gather [hbm4b:s7+s3], $0x80, v4, vm0, $0xb8;
	[tilespmem:$0x1C200] =	vst v63  }
0x246: {  	s18 =	simm.s32 $0x16200  }
0x247: {  	[tilespmem:s18], [sflag:$0x6] =	stream.indirect_vreg.gather [hbm4b:s2+s3], $0x80, v3, vm0, $0xb8;
	[tilespmem:$0x1C200] =	vst v63  }
0x248: {  	s24 =	simm.s32 $0x16A00  }
0x249: {  	[tilespmem:s24], [sflag:$0x6] =	stream.indirect_vreg.gather [hbm4b:s5+s3], $0x80, v3, vm0, $0xb8;
	[tilespmem:$0x1C200] =	vst v63  }
0x24a: {  	s12 =	simm.s32 $0x17200  }
0x24b: {  	[tilespmem:s12], [sflag:$0x6] =	stream.indirect_vreg.gather [hbm4b:s6+s3], $0x80, v3, vm0, $0xb8;
	[tilespmem:$0x1C200] =	vst v63  }
0x24c: {  	s16 =	simm.s32 $0x17A00  }
0x24d: {  	[tilespmem:s16], [sflag:$0x6] =	stream.indirect_vreg.gather [hbm4b:s7+s3], $0x80, v3, vm0, $0xb8;
	[tilespmem:$0x1C200] =	vst v63  }
0x24e: {  	_ =	swait.ge [sflag:s23], $0x4000  }
0x24f: {  	[sflag:s23] =	ssyncset.done $0x0  }
0x250: {  	s18 =	rddreg [dreg:$0x14];
	[sflag:s23] =	ssyncadd.s32 $0xFFFFC000  }
0x251: {  	[hbm4b:s18+s3] =	stream.linear.scatter [tilespmem:s20], [sflag:$0xA], $0x4000, $0x38;
	[tilespmem:$0x1C200] =	vst v63  }
0x252: {  	_ =	swait.ge [sflag:s8], $0x4000  }
0x253: {  	[sflag:s8] =	ssyncset.done $0x0  }
0x254: {  	[sflag:s8] =	ssyncadd.s32 $0xFFFFC000  }
0x255: {  	v3 =	vld [tilespmem:$0x140];
	_ =	sdelay $0x4  }
0x256: {  	v52 =	vshll.u32 v3, $0x3  }
0x257: {  	v3 =	vand.u32 $0x7, v3;
	v4 =	vand.u32 $0xFFFFFFC0, v52  }
0x258: {  	v3 =	vor.u32 v3, v4  }
0x259: {  	v4 =	vperm.xlane v3, v0;
	_ =	sdelay $0x1  }
0x25a: {  	v4 =	vadd.s32 v1, v4;
	_ =	sdelay $0x4  }
0x25b: {  	[tilespmem:s15], [sflag:$0x7] =	stream.indirect_vreg.gather [hbm4b:s2+s3], $0x80, v4, vm0, $0xb8;
	[tilespmem:$0x1C200] =	vst v63  }
0x25c: {  	s20 =	simm.s32 $0x18A00;
	v3 =	vperm.xlane v3, v2  }
0x25d: {  	[tilespmem:s20], [sflag:$0x7] =	stream.indirect_vreg.gather [hbm4b:s5+s3], $0x80, v4, vm0, $0xb8;
	[tilespmem:$0x1C200] =	vst v63  }
0x25e: {  	s24 =	simm.s32 $0x19200;
	v3 =	vadd.s32 v1, v3  }
0x25f: {  	[tilespmem:s24], [sflag:$0x7] =	stream.indirect_vreg.gather [hbm4b:s6+s3], $0x80, v4, vm0, $0xb8;
	[tilespmem:$0x1C200] =	vst v63  }
0x260: {  	_ = 	snop  }
0x261: {  	[tilespmem:s4], [sflag:$0x7] =	stream.indirect_vreg.gather [hbm4b:s7+s3], $0x80, v4, vm0, $0xb8;
	[tilespmem:$0x1C200] =	vst v63  }
0x262: {  	s12 =	simm.s32 $0x1A200  }
0x263: {  	[tilespmem:s12], [sflag:$0x7] =	stream.indirect_vreg.gather [hbm4b:s2+s3], $0x80, v3, vm0, $0xb8;
	[tilespmem:$0x1C200] =	vst v63  }
0x264: {  	s14 =	simm.s32 $0x1AA00  }
0x265: {  	[tilespmem:s14], [sflag:$0x7] =	stream.indirect_vreg.gather [hbm4b:s5+s3], $0x80, v3, vm0, $0xb8;
	[tilespmem:$0x1C200] =	vst v63  }
0x266: {  	s15 =	simm.s32 $0x1B200  }
0x267: {  	[tilespmem:s15], [sflag:$0x7] =	stream.indirect_vreg.gather [hbm4b:s6+s3], $0x80, v3, vm0, $0xb8;
	[tilespmem:$0x1C200] =	vst v63  }
0x268: {  	s16 =	simm.s32 $0x1BA00  }
0x269: {  	[tilespmem:s16], [sflag:$0x7] =	stream.indirect_vreg.gather [hbm4b:s7+s3], $0x80, v3, vm0, $0xb8;
	[tilespmem:$0x1C200] =	vst v63  }
0x26a: {  	_ =	swait.ge [sflag:s25], $0x4000  }
0x26b: {  	[sflag:s25] =	ssyncset.done $0x0  }
0x26c: {  	s12 =	simm.s32 $0xC200;
	s18 =	rddreg [dreg:$0x15];
	[sflag:s25] =	ssyncadd.s32 $0xFFFFC000  }
0x26d: {  	[hbm4b:s18+s3] =	stream.linear.scatter [tilespmem:s12], [sflag:$0xB], $0x4000, $0x38;
	[tilespmem:$0x1C200] =	vst v63  }
0x26e: {  	_ =	swait.ge [sflag:s28], $0x4000  }
0x26f: {  	[sflag:s28] =	ssyncset.done $0x0  }
0x270: {  	[sflag:s28] =	ssyncadd.s32 $0xFFFFC000  }
0x271: {  	v3 =	vld [tilespmem:$0x150];
	_ =	sdelay $0x4  }
0x272: {  	v53 =	vshll.u32 v3, $0x3  }
0x273: {  	v3 =	vand.u32 $0x7, v3;
	v4 =	vand.u32 $0xFFFFFFC0, v53  }
0x274: {  	v3 =	vor.u32 v3, v4  }
0x275: {  	v4 =	vperm.xlane v3, v0;
	_ =	sdelay $0x1  }
0x276: {  	v4 =	vadd.s32 v1, v4;
	_ =	sdelay $0x4  }
0x277: {  	[tilespmem:s29], [sflag:$0x1] =	stream.indirect_vreg.gather [hbm4b:s2+s3], $0x80, v4, vm0, $0xb8;
	[tilespmem:$0x1C200] =	vst v63  }
0x278: {  	s20 =	simm.s32 $0xA00;
	v3 =	vperm.xlane v3, v2  }
0x279: {  	[tilespmem:s20], [sflag:$0x1] =	stream.indirect_vreg.gather [hbm4b:s5+s3], $0x80, v4, vm0, $0xb8;
	[tilespmem:$0x1C200] =	vst v63  }
0x27a: {  	s15 =	simm.s32 $0x1200;
	v3 =	vadd.s32 v1, v3  }
0x27b: {  	[tilespmem:s15], [sflag:$0x1] =	stream.indirect_vreg.gather [hbm4b:s6+s3], $0x80, v4, vm0, $0xb8;
	[tilespmem:$0x1C200] =	vst v63  }
0x27c: {  	s24 =	simm.s32 $0x1A00  }
0x27d: {  	[tilespmem:s24], [sflag:$0x1] =	stream.indirect_vreg.gather [hbm4b:s7+s3], $0x80, v4, vm0, $0xb8;
	[tilespmem:$0x1C200] =	vst v63  }
0x27e: {  	s14 =	simm.s32 $0x2200  }
0x27f: {  	[tilespmem:s14], [sflag:$0x1] =	stream.indirect_vreg.gather [hbm4b:s2+s3], $0x80, v3, vm0, $0xb8;
	[tilespmem:$0x1C200] =	vst v63  }
0x280: {  	s16 =	simm.s32 $0x2A00  }
0x281: {  	[tilespmem:s16], [sflag:$0x1] =	stream.indirect_vreg.gather [hbm4b:s5+s3], $0x80, v3, vm0, $0xb8;
	[tilespmem:$0x1C200] =	vst v63  }
0x282: {  	s18 =	simm.s32 $0x3200  }
0x283: {  	[tilespmem:s18], [sflag:$0x1] =	stream.indirect_vreg.gather [hbm4b:s6+s3], $0x80, v3, vm0, $0xb8;
	[tilespmem:$0x1C200] =	vst v63  }
0x284: {  	_ = 	snop  }
0x285: {  	[tilespmem:s26], [sflag:$0x1] =	stream.indirect_vreg.gather [hbm4b:s7+s3], $0x80, v3, vm0, $0xb8;
	[tilespmem:$0x1C200] =	vst v63  }
0x286: {  	_ =	swait.ge [sflag:s31], $0x4000  }
0x287: {  	[sflag:s31] =	ssyncset.done $0x0  }
0x288: {  	s16 =	simm.s32 $0x10200;
	s20 =	rddreg [dreg:$0x16];
	[sflag:s31] =	ssyncadd.s32 $0xFFFFC000  }
0x289: {  	[hbm4b:s20+s3] =	stream.linear.scatter [tilespmem:s16], [sflag:$0xC], $0x4000, $0x38;
	[tilespmem:$0x1C200] =	vst v63  }
0x28a: {  	_ =	swait.ge [sflag:s30], $0x4000  }
0x28b: {  	[sflag:s30] =	ssyncset.done $0x0  }
0x28c: {  	[sflag:s30] =	ssyncadd.s32 $0xFFFFC000  }
0x28d: {  	v3 =	vld [tilespmem:$0x160];
	_ =	sdelay $0x4  }
0x28e: {  	v54 =	vshll.u32 v3, $0x3  }
0x28f: {  	v3 =	vand.u32 $0x7, v3;
	v4 =	vand.u32 $0xFFFFFFC0, v54  }
0x290: {  	v3 =	vor.u32 v3, v4  }
0x291: {  	v4 =	vperm.xlane v3, v0;
	_ =	sdelay $0x1  }
0x292: {  	v4 =	vadd.s32 v1, v4;
	_ =	sdelay $0x3  }
0x293: {  	s4 =	simm.s32 $0x4200  }
0x294: {  	[tilespmem:s4], [sflag:$0x2] =	stream.indirect_vreg.gather [hbm4b:s2+s3], $0x80, v4, vm0, $0xb8;
	[tilespmem:$0x1C200] =	vst v63  }
0x295: {  	s24 =	simm.s32 $0x4A00;
	v3 =	vperm.xlane v3, v2  }
0x296: {  	[tilespmem:s24], [sflag:$0x2] =	stream.indirect_vreg.gather [hbm4b:s5+s3], $0x80, v4, vm0, $0xb8;
	[tilespmem:$0x1C200] =	vst v63  }
0x297: {  	s26 =	simm.s32 $0x5200;
	v3 =	vadd.s32 v1, v3  }
0x298: {  	[tilespmem:s26], [sflag:$0x2] =	stream.indirect_vreg.gather [hbm4b:s6+s3], $0x80, v4, vm0, $0xb8;
	[tilespmem:$0x1C200] =	vst v63  }
0x299: {  	s18 =	simm.s32 $0x5A00  }
0x29a: {  	[tilespmem:s18], [sflag:$0x2] =	stream.indirect_vreg.gather [hbm4b:s7+s3], $0x80, v4, vm0, $0xb8;
	[tilespmem:$0x1C200] =	vst v63  }
0x29b: {  	s20 =	simm.s32 $0x6200  }
0x29c: {  	[tilespmem:s20], [sflag:$0x2] =	stream.indirect_vreg.gather [hbm4b:s2+s3], $0x80, v3, vm0, $0xb8;
	[tilespmem:$0x1C200] =	vst v63  }
0x29d: {  	s24 =	simm.s32 $0x6A00  }
0x29e: {  	[tilespmem:s24], [sflag:$0x2] =	stream.indirect_vreg.gather [hbm4b:s5+s3], $0x80, v3, vm0, $0xb8;
	[tilespmem:$0x1C200] =	vst v63  }
0x29f: {  	s26 =	simm.s32 $0x7200  }
0x2a0: {  	[tilespmem:s26], [sflag:$0x2] =	stream.indirect_vreg.gather [hbm4b:s6+s3], $0x80, v3, vm0, $0xb8;
	[tilespmem:$0x1C200] =	vst v63  }
0x2a1: {  	s18 =	simm.s32 $0x7A00  }
0x2a2: {  	[tilespmem:s18], [sflag:$0x2] =	stream.indirect_vreg.gather [hbm4b:s7+s3], $0x80, v3, vm0, $0xb8;
	[tilespmem:$0x1C200] =	vst v63  }
0x2a3: {  	_ =	swait.ge [sflag:s1], $0x4000  }
0x2a4: {  	[sflag:s1] =	ssyncset.done $0x0  }
0x2a5: {  	s26 =	simm.s32 $0x14200;
	s20 =	rddreg [dreg:$0x17];
	[sflag:s1] =	ssyncadd.s32 $0xFFFFC000  }
0x2a6: {  	[hbm4b:s20+s3] =	stream.linear.scatter [tilespmem:s26], [sflag:$0xD], $0x4000, $0x38;
	[tilespmem:$0x1C200] =	vst v63  }
0x2a7: {  	_ =	swait.ge [sflag:s0], $0x4000  }
0x2a8: {  	[sflag:s0] =	ssyncset.done $0x0  }
0x2a9: {  	[sflag:s0] =	ssyncadd.s32 $0xFFFFC000  }
0x2aa: {  	v3 =	vld [tilespmem:$0x170];
	_ =	sdelay $0x4  }
0x2ab: {  	v55 =	vshll.u32 v3, $0x3  }
0x2ac: {  	v3 =	vand.u32 $0x7, v3;
	v4 =	vand.u32 $0xFFFFFFC0, v55  }
0x2ad: {  	v3 =	vor.u32 v3, v4  }
0x2ae: {  	v4 =	vperm.xlane v3, v0;
	_ =	sdelay $0x1  }
0x2af: {  	v4 =	vadd.s32 v1, v4;
	_ =	sdelay $0x3  }
0x2b0: {  	s20 =	simm.s32 $0x8200  }
0x2b1: {  	[tilespmem:s20], [sflag:$0x3] =	stream.indirect_vreg.gather [hbm4b:s2+s3], $0x80, v4, vm0, $0xb8;
	[tilespmem:$0x1C200] =	vst v63  }
0x2b2: {  	s24 =	simm.s32 $0x8A00;
	v3 =	vperm.xlane v3, v2  }
0x2b3: {  	[tilespmem:s24], [sflag:$0x3] =	stream.indirect_vreg.gather [hbm4b:s5+s3], $0x80, v4, vm0, $0xb8;
	[tilespmem:$0x1C200] =	vst v63  }
0x2b4: {  	s18 =	simm.s32 $0x9200;
	v3 =	vadd.s32 v1, v3  }
0x2b5: {  	[tilespmem:s18], [sflag:$0x3] =	stream.indirect_vreg.gather [hbm4b:s6+s3], $0x80, v4, vm0, $0xb8;
	[tilespmem:$0x1C200] =	vst v63  }
0x2b6: {  	s24 =	simm.s32 $0x9A00  }
0x2b7: {  	[tilespmem:s24], [sflag:$0x3] =	stream.indirect_vreg.gather [hbm4b:s7+s3], $0x80, v4, vm0, $0xb8;
	[tilespmem:$0x1C200] =	vst v63  }
0x2b8: {  	s18 =	simm.s32 $0xA200  }
0x2b9: {  	[tilespmem:s18], [sflag:$0x3] =	stream.indirect_vreg.gather [hbm4b:s2+s3], $0x80, v3, vm0, $0xb8;
	[tilespmem:$0x1C200] =	vst v63  }
0x2ba: {  	s24 =	simm.s32 $0xAA00  }
0x2bb: {  	[tilespmem:s24], [sflag:$0x3] =	stream.indirect_vreg.gather [hbm4b:s5+s3], $0x80, v3, vm0, $0xb8;
	[tilespmem:$0x1C200] =	vst v63  }
0x2bc: {  	s18 =	simm.s32 $0xB200  }
0x2bd: {  	[tilespmem:s18], [sflag:$0x3] =	stream.indirect_vreg.gather [hbm4b:s6+s3], $0x80, v3, vm0, $0xb8;
	[tilespmem:$0x1C200] =	vst v63  }
0x2be: {  	s24 =	simm.s32 $0xBA00  }
0x2bf: {  	[tilespmem:s24], [sflag:$0x3] =	stream.indirect_vreg.gather [hbm4b:s7+s3], $0x80, v3, vm0, $0xb8;
	[tilespmem:$0x1C200] =	vst v63  }
0x2c0: {  	_ =	swait.ge [sflag:s11], $0x4000  }
0x2c1: {  	[sflag:s11] =	ssyncset.done $0x0  }
0x2c2: {  	s24 =	simm.s32 $0x18200;
	s18 =	rddreg [dreg:$0x18];
	[sflag:s11] =	ssyncadd.s32 $0xFFFFC000  }
0x2c3: {  	[hbm4b:s18+s3] =	stream.linear.scatter [tilespmem:s24], [sflag:$0xE], $0x4000, $0x38;
	[tilespmem:$0x1C200] =	vst v63  }
0x2c4: {  	_ =	swait.ge [sflag:s10], $0x4000  }
0x2c5: {  	[sflag:s10] =	ssyncset.done $0x0  }
0x2c6: {  	[sflag:s10] =	ssyncadd.s32 $0xFFFFC000  }
0x2c7: {  	v3 =	vld [tilespmem:$0x180];
	_ =	sdelay $0x4  }
0x2c8: {  	v56 =	vshll.u32 v3, $0x3  }
0x2c9: {  	v3 =	vand.u32 $0x7, v3;
	v4 =	vand.u32 $0xFFFFFFC0, v56  }
0x2ca: {  	v3 =	vor.u32 v3, v4  }
0x2cb: {  	v4 =	vperm.xlane v3, v0;
	_ =	sdelay $0x1  }
0x2cc: {  	v4 =	vadd.s32 v1, v4;
	_ =	sdelay $0x4  }
0x2cd: {  	[tilespmem:s12], [sflag:$0x4] =	stream.indirect_vreg.gather [hbm4b:s2+s3], $0x80, v4, vm0, $0xb8;
	[tilespmem:$0x1C200] =	vst v63  }
0x2ce: {  	s18 =	simm.s32 $0xCA00;
	v3 =	vperm.xlane v3, v2  }
0x2cf: {  	[tilespmem:s18], [sflag:$0x4] =	stream.indirect_vreg.gather [hbm4b:s5+s3], $0x80, v4, vm0, $0xb8;
	[tilespmem:$0x1C200] =	vst v63  }
0x2d0: {  	v3 =	vadd.s32 v1, v3  }
0x2d1: {  	[tilespmem:s9], [sflag:$0x4] =	stream.indirect_vreg.gather [hbm4b:s6+s3], $0x80, v4, vm0, $0xb8;
	[tilespmem:$0x1C200] =	vst v63  }
0x2d2: {  	s18 =	simm.s32 $0xDA00  }
0x2d3: {  	[tilespmem:s18], [sflag:$0x4] =	stream.indirect_vreg.gather [hbm4b:s7+s3], $0x80, v4, vm0, $0xb8;
	[tilespmem:$0x1C200] =	vst v63  }
0x2d4: {  	s9 =	simm.s32 $0xE200  }
0x2d5: {  	[tilespmem:s9], [sflag:$0x4] =	stream.indirect_vreg.gather [hbm4b:s2+s3], $0x80, v3, vm0, $0xb8;
	[tilespmem:$0x1C200] =	vst v63  }
0x2d6: {  	s14 =	simm.s32 $0xEA00  }
0x2d7: {  	[tilespmem:s14], [sflag:$0x4] =	stream.indirect_vreg.gather [hbm4b:s5+s3], $0x80, v3, vm0, $0xb8;
	[tilespmem:$0x1C200] =	vst v63  }
0x2d8: {  	s9 =	simm.s32 $0xF200  }
0x2d9: {  	[tilespmem:s9], [sflag:$0x4] =	stream.indirect_vreg.gather [hbm4b:s6+s3], $0x80, v3, vm0, $0xb8;
	[tilespmem:$0x1C200] =	vst v63  }
0x2da: {  	s9 =	simm.s32 $0xFA00  }
0x2db: {  	[tilespmem:s9], [sflag:$0x4] =	stream.indirect_vreg.gather [hbm4b:s7+s3], $0x80, v3, vm0, $0xb8;
	[tilespmem:$0x1C200] =	vst v63  }
0x2dc: {  	_ =	swait.ge [sflag:s19], $0x4000  }
0x2dd: {  	[sflag:s19] =	ssyncset.done $0x0  }
0x2de: {  	s9 =	rddreg [dreg:$0x19];
	[sflag:s19] =	ssyncadd.s32 $0xFFFFC000  }
0x2df: {  	[hbm4b:s9+s3] =	stream.linear.scatter [tilespmem:s29], [sflag:$0x8], $0x4000, $0x38;
	[tilespmem:$0x1C200] =	vst v63  }
0x2e0: {  	_ =	swait.ge [sflag:s22], $0x4000  }
0x2e1: {  	[sflag:s22] =	ssyncset.done $0x0  }
0x2e2: {  	[sflag:s22] =	ssyncadd.s32 $0xFFFFC000  }
0x2e3: {  	v3 =	vld [tilespmem:$0x190];
	_ =	sdelay $0x4  }
0x2e4: {  	v57 =	vshll.u32 v3, $0x3  }
0x2e5: {  	v3 =	vand.u32 $0x7, v3;
	v4 =	vand.u32 $0xFFFFFFC0, v57  }
0x2e6: {  	v3 =	vor.u32 v3, v4  }
0x2e7: {  	v4 =	vperm.xlane v3, v0;
	_ =	sdelay $0x1  }
0x2e8: {  	v4 =	vadd.s32 v1, v4;
	_ =	sdelay $0x4  }
0x2e9: {  	[tilespmem:s16], [sflag:$0x5] =	stream.indirect_vreg.gather [hbm4b:s2+s3], $0x80, v4, vm0, $0xb8;
	[tilespmem:$0x1C200] =	vst v63  }
0x2ea: {  	v3 =	vperm.xlane v3, v2;
	s16 =	simm.s32 $0x10A00  }
0x2eb: {  	[tilespmem:s16], [sflag:$0x5] =	stream.indirect_vreg.gather [hbm4b:s5+s3], $0x80, v4, vm0, $0xb8;
	[tilespmem:$0x1C200] =	vst v63  }
0x2ec: {  	v3 =	vadd.s32 v1, v3;
	s16 =	simm.s32 $0x11200  }
0x2ed: {  	[tilespmem:s16], [sflag:$0x5] =	stream.indirect_vreg.gather [hbm4b:s6+s3], $0x80, v4, vm0, $0xb8;
	[tilespmem:$0x1C200] =	vst v63  }
0x2ee: {  	s16 =	simm.s32 $0x11A00  }
0x2ef: {  	[tilespmem:s16], [sflag:$0x5] =	stream.indirect_vreg.gather [hbm4b:s7+s3], $0x80, v4, vm0, $0xb8;
	[tilespmem:$0x1C200] =	vst v63  }
0x2f0: {  	s16 =	simm.s32 $0x12200  }
0x2f1: {  	[tilespmem:s16], [sflag:$0x5] =	stream.indirect_vreg.gather [hbm4b:s2+s3], $0x80, v3, vm0, $0xb8;
	[tilespmem:$0x1C200] =	vst v63  }
0x2f2: {  	s16 =	simm.s32 $0x12A00  }
0x2f3: {  	[tilespmem:s16], [sflag:$0x5] =	stream.indirect_vreg.gather [hbm4b:s5+s3], $0x80, v3, vm0, $0xb8;
	[tilespmem:$0x1C200] =	vst v63  }
0x2f4: {  	s16 =	simm.s32 $0x13200  }
0x2f5: {  	[tilespmem:s16], [sflag:$0x5] =	stream.indirect_vreg.gather [hbm4b:s6+s3], $0x80, v3, vm0, $0xb8;
	[tilespmem:$0x1C200] =	vst v63  }
0x2f6: {  	s16 =	simm.s32 $0x13A00  }
0x2f7: {  	[tilespmem:s16], [sflag:$0x5] =	stream.indirect_vreg.gather [hbm4b:s7+s3], $0x80, v3, vm0, $0xb8;
	[tilespmem:$0x1C200] =	vst v63  }
0x2f8: {  	_ =	swait.ge [sflag:s21], $0x4000  }
0x2f9: {  	[sflag:s21] =	ssyncset.done $0x0  }
0x2fa: {  	s16 =	rddreg [dreg:$0x1a];
	[sflag:s21] =	ssyncadd.s32 $0xFFFFC000  }
0x2fb: {  	[hbm4b:s16+s3] =	stream.linear.scatter [tilespmem:s4], [sflag:$0x9], $0x4000, $0x38;
	[tilespmem:$0x1C200] =	vst v63  }
0x2fc: {  	_ =	swait.ge [sflag:s13], $0x4000  }
0x2fd: {  	[sflag:s13] =	ssyncset.done $0x0  }
0x2fe: {  	[sflag:s13] =	ssyncadd.s32 $0xFFFFC000  }
0x2ff: {  	v3 =	vld [tilespmem:$0x1A0];
	_ =	sdelay $0x4  }
0x300: {  	v58 =	vshll.u32 v3, $0x3  }
0x301: {  	v3 =	vand.u32 $0x7, v3;
	v4 =	vand.u32 $0xFFFFFFC0, v58  }
0x302: {  	v3 =	vor.u32 v3, v4  }
0x303: {  	v4 =	vperm.xlane v3, v0;
	_ =	sdelay $0x1  }
0x304: {  	v4 =	vadd.s32 v1, v4;
	_ =	sdelay $0x4  }
0x305: {  	[tilespmem:s26], [sflag:$0x6] =	stream.indirect_vreg.gather [hbm4b:s2+s3], $0x80, v4, vm0, $0xb8;
	[tilespmem:$0x1C200] =	vst v63  }
0x306: {  	s16 =	simm.s32 $0x14A00;
	v3 =	vperm.xlane v3, v2  }
0x307: {  	[tilespmem:s16], [sflag:$0x6] =	stream.indirect_vreg.gather [hbm4b:s5+s3], $0x80, v4, vm0, $0xb8;
	[tilespmem:$0x1C200] =	vst v63  }
0x308: {  	v3 =	vadd.s32 v1, v3;
	s16 =	simm.s32 $0x15200  }
0x309: {  	[tilespmem:s16], [sflag:$0x6] =	stream.indirect_vreg.gather [hbm4b:s6+s3], $0x80, v4, vm0, $0xb8;
	[tilespmem:$0x1C200] =	vst v63  }
0x30a: {  	s16 =	simm.s32 $0x15A00  }
0x30b: {  	[tilespmem:s16], [sflag:$0x6] =	stream.indirect_vreg.gather [hbm4b:s7+s3], $0x80, v4, vm0, $0xb8;
	[tilespmem:$0x1C200] =	vst v63  }
0x30c: {  	s16 =	simm.s32 $0x16200  }
0x30d: {  	[tilespmem:s16], [sflag:$0x6] =	stream.indirect_vreg.gather [hbm4b:s2+s3], $0x80, v3, vm0, $0xb8;
	[tilespmem:$0x1C200] =	vst v63  }
0x30e: {  	s16 =	simm.s32 $0x16A00  }
0x30f: {  	[tilespmem:s16], [sflag:$0x6] =	stream.indirect_vreg.gather [hbm4b:s5+s3], $0x80, v3, vm0, $0xb8;
	[tilespmem:$0x1C200] =	vst v63  }
0x310: {  	s16 =	simm.s32 $0x17200  }
0x311: {  	[tilespmem:s16], [sflag:$0x6] =	stream.indirect_vreg.gather [hbm4b:s6+s3], $0x80, v3, vm0, $0xb8;
	[tilespmem:$0x1C200] =	vst v63  }
0x312: {  	s16 =	simm.s32 $0x17A00  }
0x313: {  	[tilespmem:s16], [sflag:$0x6] =	stream.indirect_vreg.gather [hbm4b:s7+s3], $0x80, v3, vm0, $0xb8;
	[tilespmem:$0x1C200] =	vst v63  }
0x314: {  	_ =	swait.ge [sflag:s23], $0x4000  }
0x315: {  	[sflag:s23] =	ssyncset.done $0x0  }
0x316: {  	s16 =	rddreg [dreg:$0x1b];
	[sflag:s23] =	ssyncadd.s32 $0xFFFFC000  }
0x317: {  	[hbm4b:s16+s3] =	stream.linear.scatter [tilespmem:s20], [sflag:$0xA], $0x4000, $0x38;
	[tilespmem:$0x1C200] =	vst v63  }
0x318: {  	_ =	swait.ge [sflag:s8], $0x4000  }
0x319: {  	[sflag:s8] =	ssyncset.done $0x0  }
0x31a: {  	[sflag:s8] =	ssyncadd.s32 $0xFFFFC000  }
0x31b: {  	v3 =	vld [tilespmem:$0x1B0];
	_ =	sdelay $0x4  }
0x31c: {  	v59 =	vshll.u32 v3, $0x3  }
0x31d: {  	v3 =	vand.u32 $0x7, v3;
	v4 =	vand.u32 $0xFFFFFFC0, v59  }
0x31e: {  	v3 =	vor.u32 v3, v4  }
0x31f: {  	v4 =	vperm.xlane v3, v0;
	_ =	sdelay $0x1  }
0x320: {  	v4 =	vadd.s32 v1, v4;
	_ =	sdelay $0x4  }
0x321: {  	[tilespmem:s24], [sflag:$0x7] =	stream.indirect_vreg.gather [hbm4b:s2+s3], $0x80, v4, vm0, $0xb8;
	[tilespmem:$0x1C200] =	vst v63  }
0x322: {  	v3 =	vperm.xlane v3, v2;
	s24 =	simm.s32 $0x18A00  }
0x323: {  	[tilespmem:s24], [sflag:$0x7] =	stream.indirect_vreg.gather [hbm4b:s5+s3], $0x80, v4, vm0, $0xb8;
	[tilespmem:$0x1C200] =	vst v63  }
0x324: {  	v3 =	vadd.s32 v1, v3;
	s24 =	simm.s32 $0x19200  }
0x325: {  	[tilespmem:s24], [sflag:$0x7] =	stream.indirect_vreg.gather [hbm4b:s6+s3], $0x80, v4, vm0, $0xb8;
	[tilespmem:$0x1C200] =	vst v63  }
0x326: {  	s24 =	simm.s32 $0x19A00  }
0x327: {  	[tilespmem:s24], [sflag:$0x7] =	stream.indirect_vreg.gather [hbm4b:s7+s3], $0x80, v4, vm0, $0xb8;
	[tilespmem:$0x1C200] =	vst v63  }
0x328: {  	s24 =	simm.s32 $0x1A200  }
0x329: {  	[tilespmem:s24], [sflag:$0x7] =	stream.indirect_vreg.gather [hbm4b:s2+s3], $0x80, v3, vm0, $0xb8;
	[tilespmem:$0x1C200] =	vst v63  }
0x32a: {  	s24 =	simm.s32 $0x1AA00  }
0x32b: {  	[tilespmem:s24], [sflag:$0x7] =	stream.indirect_vreg.gather [hbm4b:s5+s3], $0x80, v3, vm0, $0xb8;
	[tilespmem:$0x1C200] =	vst v63  }
0x32c: {  	s24 =	simm.s32 $0x1B200  }
0x32d: {  	[tilespmem:s24], [sflag:$0x7] =	stream.indirect_vreg.gather [hbm4b:s6+s3], $0x80, v3, vm0, $0xb8;
	[tilespmem:$0x1C200] =	vst v63  }
0x32e: {  	s24 =	simm.s32 $0x1BA00  }
0x32f: {  	[tilespmem:s24], [sflag:$0x7] =	stream.indirect_vreg.gather [hbm4b:s7+s3], $0x80, v3, vm0, $0xb8;
	[tilespmem:$0x1C200] =	vst v63  }
0x330: {  	_ =	swait.ge [sflag:s25], $0x4000  }
0x331: {  	[sflag:s25] =	ssyncset.done $0x0  }
0x332: {  	s12 =	simm.s32 $0xC200;
	s24 =	rddreg [dreg:$0x1c];
	[sflag:s25] =	ssyncadd.s32 $0xFFFFC000  }
0x333: {  	[hbm4b:s24+s3] =	stream.linear.scatter [tilespmem:s12], [sflag:$0xB], $0x4000, $0x38;
	[tilespmem:$0x1C200] =	vst v63  }
0x334: {  	_ =	swait.ge [sflag:s28], $0x4000  }
0x335: {  	[sflag:s28] =	ssyncset.done $0x0  }
0x336: {  	[sflag:s28] =	ssyncadd.s32 $0xFFFFC000  }
0x337: {  	v3 =	vld [tilespmem:$0x1C0];
	_ =	sdelay $0x4  }
0x338: {  	v60 =	vshll.u32 v3, $0x3  }
0x339: {  	v3 =	vand.u32 $0x7, v3;
	v4 =	vand.u32 $0xFFFFFFC0, v60  }
0x33a: {  	v3 =	vor.u32 v3, v4  }
0x33b: {  	v4 =	vperm.xlane v3, v0;
	_ =	sdelay $0x1  }
0x33c: {  	v4 =	vadd.s32 v1, v4;
	_ =	sdelay $0x4  }
0x33d: {  	[tilespmem:s29], [sflag:$0x1] =	stream.indirect_vreg.gather [hbm4b:s2+s3], $0x80, v4, vm0, $0xb8;
	[tilespmem:$0x1C200] =	vst v63  }
0x33e: {  	s14 =	simm.s32 $0xA00;
	v3 =	vperm.xlane v3, v2  }
0x33f: {  	[tilespmem:s14], [sflag:$0x1] =	stream.indirect_vreg.gather [hbm4b:s5+s3], $0x80, v4, vm0, $0xb8;
	[tilespmem:$0x1C200] =	vst v63  }
0x340: {  	v3 =	vadd.s32 v1, v3  }
0x341: {  	[tilespmem:s15], [sflag:$0x1] =	stream.indirect_vreg.gather [hbm4b:s6+s3], $0x80, v4, vm0, $0xb8;
	[tilespmem:$0x1C200] =	vst v63  }
0x342: {  	s15 =	simm.s32 $0x1A00  }
0x343: {  	[tilespmem:s15], [sflag:$0x1] =	stream.indirect_vreg.gather [hbm4b:s7+s3], $0x80, v4, vm0, $0xb8;
	[tilespmem:$0x1C200] =	vst v63  }
0x344: {  	s24 =	simm.s32 $0x2200  }
0x345: {  	[tilespmem:s24], [sflag:$0x1] =	stream.indirect_vreg.gather [hbm4b:s2+s3], $0x80, v3, vm0, $0xb8;
	[tilespmem:$0x1C200] =	vst v63  }
0x346: {  	s14 =	simm.s32 $0x2A00  }
0x347: {  	[tilespmem:s14], [sflag:$0x1] =	stream.indirect_vreg.gather [hbm4b:s5+s3], $0x80, v3, vm0, $0xb8;
	[tilespmem:$0x1C200] =	vst v63  }
0x348: {  	s15 =	simm.s32 $0x3200  }
0x349: {  	[tilespmem:s15], [sflag:$0x1] =	stream.indirect_vreg.gather [hbm4b:s6+s3], $0x80, v3, vm0, $0xb8;
	[tilespmem:$0x1C200] =	vst v63  }
0x34a: {  	s24 =	simm.s32 $0x3A00  }
0x34b: {  	[tilespmem:s24], [sflag:$0x1] =	stream.indirect_vreg.gather [hbm4b:s7+s3], $0x80, v3, vm0, $0xb8;
	[tilespmem:$0x1C200] =	vst v63  }
0x34c: {  	_ =	swait.ge [sflag:s31], $0x4000  }
0x34d: {  	[sflag:s31] =	ssyncset.done $0x0  }
0x34e: {  	s9 =	simm.s32 $0x10200;
	s12 =	rddreg [dreg:$0x1d];
	[sflag:s31] =	ssyncadd.s32 $0xFFFFC000  }
0x34f: {  	[hbm4b:s12+s3] =	stream.linear.scatter [tilespmem:s9], [sflag:$0xC], $0x4000, $0x38;
	[tilespmem:$0x1C200] =	vst v63  }
0x350: {  	_ =	swait.ge [sflag:s30], $0x4000  }
0x351: {  	[sflag:s30] =	ssyncset.done $0x0  }
0x352: {  	[sflag:s30] =	ssyncadd.s32 $0xFFFFC000  }
0x353: {  	v3 =	vld [tilespmem:$0x1D0];
	_ =	sdelay $0x4  }
0x354: {  	v61 =	vshll.u32 v3, $0x3  }
0x355: {  	v3 =	vand.u32 $0x7, v3;
	v4 =	vand.u32 $0xFFFFFFC0, v61  }
0x356: {  	v3 =	vor.u32 v3, v4  }
0x357: {  	v4 =	vperm.xlane v3, v0;
	_ =	sdelay $0x1  }
0x358: {  	v4 =	vadd.s32 v1, v4;
	_ =	sdelay $0x3  }
0x359: {  	s4 =	simm.s32 $0x4200  }
0x35a: {  	[tilespmem:s4], [sflag:$0x2] =	stream.indirect_vreg.gather [hbm4b:s2+s3], $0x80, v4, vm0, $0xb8;
	[tilespmem:$0x1C200] =	vst v63  }
0x35b: {  	s14 =	simm.s32 $0x4A00;
	v3 =	vperm.xlane v3, v2  }
0x35c: {  	[tilespmem:s14], [sflag:$0x2] =	stream.indirect_vreg.gather [hbm4b:s5+s3], $0x80, v4, vm0, $0xb8;
	[tilespmem:$0x1C200] =	vst v63  }
0x35d: {  	s15 =	simm.s32 $0x5200;
	v3 =	vadd.s32 v1, v3  }
0x35e: {  	[tilespmem:s15], [sflag:$0x2] =	stream.indirect_vreg.gather [hbm4b:s6+s3], $0x80, v4, vm0, $0xb8;
	[tilespmem:$0x1C200] =	vst v63  }
0x35f: {  	s24 =	simm.s32 $0x5A00  }
0x360: {  	[tilespmem:s24], [sflag:$0x2] =	stream.indirect_vreg.gather [hbm4b:s7+s3], $0x80, v4, vm0, $0xb8;
	[tilespmem:$0x1C200] =	vst v63  }
0x361: {  	s31 =	simm.s32 $0x6200  }
0x362: {  	[tilespmem:s31], [sflag:$0x2] =	stream.indirect_vreg.gather [hbm4b:s2+s3], $0x80, v3, vm0, $0xb8;
	[tilespmem:$0x1C200] =	vst v63  }
0x363: {  	s12 =	simm.s32 $0x6A00  }
0x364: {  	[tilespmem:s12], [sflag:$0x2] =	stream.indirect_vreg.gather [hbm4b:s5+s3], $0x80, v3, vm0, $0xb8;
	[tilespmem:$0x1C200] =	vst v63  }
0x365: {  	s14 =	simm.s32 $0x7200  }
0x366: {  	[tilespmem:s14], [sflag:$0x2] =	stream.indirect_vreg.gather [hbm4b:s6+s3], $0x80, v3, vm0, $0xb8;
	[tilespmem:$0x1C200] =	vst v63  }
0x367: {  	s15 =	simm.s32 $0x7A00  }
0x368: {  	[tilespmem:s15], [sflag:$0x2] =	stream.indirect_vreg.gather [hbm4b:s7+s3], $0x80, v3, vm0, $0xb8;
	[tilespmem:$0x1C200] =	vst v63  }
0x369: {  	_ =	swait.ge [sflag:s1], $0x4000  }
0x36a: {  	[sflag:s1] =	ssyncset.done $0x0  }
0x36b: {  	s26 =	simm.s32 $0x14200;
	s24 =	rddreg [dreg:$0x1e];
	[sflag:s1] =	ssyncadd.s32 $0xFFFFC000  }
0x36c: {  	[hbm4b:s24+s3] =	stream.linear.scatter [tilespmem:s26], [sflag:$0xD], $0x4000, $0x38;
	[tilespmem:$0x1C200] =	vst v63  }
0x36d: {  	_ =	swait.ge [sflag:s0], $0x4000  }
0x36e: {  	[sflag:s0] =	ssyncset.done $0x0  }
0x36f: {  	[sflag:s0] =	ssyncadd.s32 $0xFFFFC000  }
0x370: {  	v3 =	vld [tilespmem:$0x1E0];
	_ =	sdelay $0x4  }
0x371: {  	v62 =	vshll.u32 v3, $0x3  }
0x372: {  	v3 =	vand.u32 $0x7, v3;
	v4 =	vand.u32 $0xFFFFFFC0, v62  }
0x373: {  	v3 =	vor.u32 v3, v4  }
0x374: {  	v4 =	vperm.xlane v3, v0;
	_ =	sdelay $0x1  }
0x375: {  	v4 =	vadd.s32 v1, v4;
	_ =	sdelay $0x3  }
0x376: {  	s16 =	simm.s32 $0x8200  }
0x377: {  	[tilespmem:s16], [sflag:$0x3] =	stream.indirect_vreg.gather [hbm4b:s2+s3], $0x80, v4, vm0, $0xb8;
	[tilespmem:$0x1C200] =	vst v63  }
0x378: {  	s26 =	simm.s32 $0x8A00;
	v3 =	vperm.xlane v3, v2  }
0x379: {  	[tilespmem:s26], [sflag:$0x3] =	stream.indirect_vreg.gather [hbm4b:s5+s3], $0x80, v4, vm0, $0xb8;
	[tilespmem:$0x1C200] =	vst v63  }
0x37a: {  	s31 =	simm.s32 $0x9200;
	v3 =	vadd.s32 v1, v3  }
0x37b: {  	[tilespmem:s31], [sflag:$0x3] =	stream.indirect_vreg.gather [hbm4b:s6+s3], $0x80, v4, vm0, $0xb8;
	[tilespmem:$0x1C200] =	vst v63  }
0x37c: {  	s9 =	simm.s32 $0x9A00  }
0x37d: {  	[tilespmem:s9], [sflag:$0x3] =	stream.indirect_vreg.gather [hbm4b:s7+s3], $0x80, v4, vm0, $0xb8;
	[tilespmem:$0x1C200] =	vst v63  }
0x37e: {  	s12 =	simm.s32 $0xA200  }
0x37f: {  	[tilespmem:s12], [sflag:$0x3] =	stream.indirect_vreg.gather [hbm4b:s2+s3], $0x80, v3, vm0, $0xb8;
	[tilespmem:$0x1C200] =	vst v63  }
0x380: {  	s14 =	simm.s32 $0xAA00  }
0x381: {  	[tilespmem:s14], [sflag:$0x3] =	stream.indirect_vreg.gather [hbm4b:s5+s3], $0x80, v3, vm0, $0xb8;
	[tilespmem:$0x1C200] =	vst v63  }
0x382: {  	s15 =	simm.s32 $0xB200  }
0x383: {  	[tilespmem:s15], [sflag:$0x3] =	stream.indirect_vreg.gather [hbm4b:s6+s3], $0x80, v3, vm0, $0xb8;
	[tilespmem:$0x1C200] =	vst v63  }
0x384: {  	s24 =	simm.s32 $0xBA00  }
0x385: {  	[tilespmem:s24], [sflag:$0x3] =	stream.indirect_vreg.gather [hbm4b:s7+s3], $0x80, v3, vm0, $0xb8;
	[tilespmem:$0x1C200] =	vst v63  }
0x386: {  	_ =	swait.ge [sflag:s11], $0x4000  }
0x387: {  	[sflag:s11] =	ssyncset.done $0x0  }
0x388: {  	s20 =	simm.s32 $0x18200;
	s26 =	rddreg [dreg:$0x1f];
	[sflag:s11] =	ssyncadd.s32 $0xFFFFC000  }
0x389: {  	[hbm4b:s26+s3] =	stream.linear.scatter [tilespmem:s20], [sflag:$0xE], $0x4000, $0x38;
	[tilespmem:$0x1C200] =	vst v63  }
0x38a: {  	_ =	swait.ge [sflag:s10], $0x4000  }
0x38b: {  	[sflag:s10] =	ssyncset.done $0x0  }
0x38c: {  	[sflag:s10] =	ssyncadd.s32 $0xFFFFC000  }
0x38d: {  	v3 =	vld [tilespmem:$0x1F0];
	_ =	sdelay $0x4  }
0x38e: {  	v63 =	vshll.u32 v3, $0x3  }
0x38f: {  	v3 =	vand.u32 $0x7, v3;
	v4 =	vand.u32 $0xFFFFFFC0, v63  }
0x390: {  	v3 =	vor.u32 v3, v4  }
0x391: {  	v4 =	vperm.xlane v3, v0;
	_ =	sdelay $0x1  }
0x392: {  	v4 =	vadd.s32 v1, v4;
	_ =	sdelay $0x3  }
0x393: {  	s1 =	simm.s32 $0xC200  }
0x394: {  	[tilespmem:s1], [sflag:$0x4] =	stream.indirect_vreg.gather [hbm4b:s2+s3], $0x80, v4, vm0, $0xb8;
	[tilespmem:$0x1C200] =	vst v63  }
0x395: {  	s31 =	simm.s32 $0xCA00;
	v3 =	vperm.xlane v3, v2  }
0x396: {  	[tilespmem:s31], [sflag:$0x4] =	stream.indirect_vreg.gather [hbm4b:s5+s3], $0x80, v4, vm0, $0xb8;
	[tilespmem:$0x1C200] =	vst v63  }
0x397: {  	s11 =	simm.s32 $0xD200;
	v3 =	vadd.s32 v1, v3  }
0x398: {  	[tilespmem:s11], [sflag:$0x4] =	stream.indirect_vreg.gather [hbm4b:s6+s3], $0x80, v4, vm0, $0xb8;
	[tilespmem:$0x1C200] =	vst v63  }
0x399: {  	s12 =	simm.s32 $0xDA00  }
0x39a: {  	[tilespmem:s12], [sflag:$0x4] =	stream.indirect_vreg.gather [hbm4b:s7+s3], $0x80, v4, vm0, $0xb8;
	[tilespmem:$0x1C200] =	vst v63  }
0x39b: {  	s18 =	simm.s32 $0xE200  }
0x39c: {  	[tilespmem:s18], [sflag:$0x4] =	stream.indirect_vreg.gather [hbm4b:s2+s3], $0x80, v3, vm0, $0xb8;
	[tilespmem:$0x1C200] =	vst v63  }
0x39d: {  	s14 =	simm.s32 $0xEA00  }
0x39e: {  	[tilespmem:s14], [sflag:$0x4] =	stream.indirect_vreg.gather [hbm4b:s5+s3], $0x80, v3, vm0, $0xb8;
	[tilespmem:$0x1C200] =	vst v63  }
0x39f: {  	s15 =	simm.s32 $0xF200  }
0x3a0: {  	[tilespmem:s15], [sflag:$0x4] =	stream.indirect_vreg.gather [hbm4b:s6+s3], $0x80, v3, vm0, $0xb8;
	[tilespmem:$0x1C200] =	vst v63  }
0x3a1: {  	s18 =	simm.s32 $0xFA00  }
0x3a2: {  	[tilespmem:s18], [sflag:$0x4] =	stream.indirect_vreg.gather [hbm4b:s7+s3], $0x80, v3, vm0, $0xb8;
	[tilespmem:$0x1C200] =	vst v63  }
0x3a3: {  	_ =	swait.ge [sflag:s19], $0x4000  }
0x3a4: {  	s20 =	sld [smem:$0x7F8]  }
0x3a5: {  	[sflag:s19] =	ssyncset.done $0x0  }
0x3a6: {  	[sflag:s19] =	ssyncadd.s32 $0xFFFFC000  }
0x3a7: {  	[hbm4b:s20+s3] =	stream.linear.scatter [tilespmem:s29], [sflag:$0x8], $0x4000, $0x38;
	[tilespmem:$0x1C200] =	vst v63  }
0x3a8: {  	_ =	swait.ge [sflag:s21], $0x4000  }
0x3a9: {  	s24 =	sld [smem:$0x7F9]  }
0x3aa: {  	[sflag:s21] =	ssyncset.done $0x0  }
0x3ab: {  	[sflag:s21] =	ssyncadd.s32 $0xFFFFC000  }
0x3ac: {  	[hbm4b:s24+s3] =	stream.linear.scatter [tilespmem:s4], [sflag:$0x9], $0x4000, $0x38;
	[tilespmem:$0x1C200] =	vst v63  }
0x3ad: {  	_ =	swait.ge [sflag:s23], $0x4000  }
0x3ae: {  	s26 =	sld [smem:$0x7FA]  }
0x3af: {  	[sflag:s23] =	ssyncset.done $0x0  }
0x3b0: {  	[sflag:s23] =	ssyncadd.s32 $0xFFFFC000  }
0x3b1: {  	[hbm4b:s26+s3] =	stream.linear.scatter [tilespmem:s16], [sflag:$0xA], $0x4000, $0x38;
	[tilespmem:$0x1C200] =	vst v63  }
0x3b2: {  	_ =	swait.ge [sflag:s25], $0x4000  }
0x3b3: {  	s31 =	sld [smem:$0x7FC]  }
0x3b4: {  	[sflag:s25] =	ssyncset.done $0x0  }
0x3b5: {  	[sflag:s25] =	ssyncadd.s32 $0xFFFFC000  }
0x3b6: {  	[hbm4b:s31+s3] =	stream.linear.scatter [tilespmem:s1], [sflag:$0xB], $0x4000, $0x38;
	[tilespmem:$0x1C200] =	vst v63  }
0x3b7: {  	_ =	swait.ge [sflag:s28], $0x4000  }
0x3b8: {  	[sflag:s28] =	ssyncset.done $0x0  }
0x3b9: {  	[sflag:s28] =	ssyncadd.s32 $0xFFFFC000  }
0x3ba: {  	_ =	swait.ge [sflag:s30], $0x4000  }
0x3bb: {  	[sflag:s30] =	ssyncset.done $0x0  }
0x3bc: {  	[sflag:s30] =	ssyncadd.s32 $0xFFFFC000  }
0x3bd: {  	_ =	swait.ge [sflag:s0], $0x4000  }
0x3be: {  	[sflag:s0] =	ssyncset.done $0x0  }
0x3bf: {  	[sflag:s0] =	ssyncadd.s32 $0xFFFFC000  }
0x3c0: {  	_ =	swait.ge [sflag:s10], $0x4000  }
0x3c1: {  	[sflag:s10] =	ssyncset.done $0x0  }
0x3c2: {  	[sflag:s10] =	ssyncadd.s32 $0xFFFFC000  }
0x3c3: {  	_ =	swait.ge [sflag:s22], $0x4000  }
0x3c4: {  	[sflag:s22] =	ssyncset.done $0x0  }
0x3c5: {  	[sflag:s22] =	ssyncadd.s32 $0xFFFFC000  }
0x3c6: {  	p0 =	sne.s32 s17, $0x1;
	_ =	swait.ge [sflag:s13], $0x4000  }
.Ltmp0:
0x3c7: {  	[sflag:s13] =	ssyncset.done $0x0;
	(pc) =	sbr.rel @p0 .LBB2_1-.Ltmp0, $4  }
0x3c8: {  	[sflag:s13] =	ssyncadd.s32 $0xFFFFC000  }
0x3c9: {  	_ =	swait.ge [sflag:s8], $0x4000  }
0x3ca: {  	[sflag:s8] =	ssyncset.done $0x0  }
0x3cb: {  	s17 =	sadd.s32 $0xFFFFFFFF, s17;
	[sflag:s8] =	ssyncadd.s32 $0xFFFFC000  }
0x3cc: {  	_ =	sfence.sel $0x180000  }
0x3cd: {  	[bflag:$0x0] =	sbarrier.arrive $0xFFFF  }
0x3ce: {  	_ =	strace $0x90000047  }
0x3cf: {  	s0 =	stileid.u32;
	[bflag:$0x2] =	sbarrier.arrive $0xFFFF  }
0x3d0: {  	p0 =	sne.s32 s0, $0x0;
	s0 =	rddreg [dreg:$0x3]  }
0x3d1: {  	s0 =	sadd.s32 @!p0 $0x100000, s0  }
0x3d2: {  	[sflag:s0] =	ssyncadd.tile.s32 @!p0 $0x1;
	_ =	shalt  }
.Lfunc_end2:
_tile_overlayer_lowered:
.L_overlay_start_2:
0x3d3: {  	(tag) =	ssettag $0x2  }
0x3d4: {  	s0 =	rddreg [dreg:$0x0];
	s2 =	stileid.u32  }
0x3d5: {  	s1 =	rddreg [dreg:$0x1];
	p0 =	sne.s32 s2, $0x0  }
0x3d6: {  	s3 =	rddreg [dreg:$0x2];
	[bflag:$0x3] =	sbarrier.arrive $0xFFFF;
	s2 =	simm.s32 @!p0 $0x1C0F  }
0x3d7: {  	[timem:s3], [sflag:s2] =	dma.local @!p0 [hbm:s0], s1  }
0x3d8: {  	s0 =	simm.s32 @!p0 $0xF  }
0x3d9: {  	_ =	swait.ge @!p0 [sflag:s0], s1  }
0x3da: {  	s1 =	ssub.s32 @!p0 $0x0, s1;
	[sflag:s0] =	ssyncset.done @!p0 $0x0  }
0x3db: {  	[sflag:s0] =	ssyncadd.s32 @!p0 s1  }
0x3dc: {  	[bflag:$0x3] =	sbarrier.arrive $0xFFFF  }
0x3dd: {  	_ =	shalt  }

</sc_bundles>
